<compile_context>
chip_gen: v7x
topology: tpu7x:2x2x1
jax: 0.10.2.dev20260603
libtpu: 0.0.44.dev20260713+nightly
codegen_flags: <defaults>
</compile_context>

<pallas_src>
import functools

import jax
import jax.numpy as jnp
from jax.experimental import pallas as pl
from jax.experimental.pallas import tpu as pltpu
from jax.experimental.pallas import tpu_sc as plsc

_F32 = jnp.float32


def _elu(v):
    return jnp.where(v > 0, v, jnp.exp(jnp.minimum(v, 0.0)) - 1.0)



def _sc_gather(table, idx):
    nr, d = table.shape
    ee = idx.shape[0]
    nw = 32
    bpw = ee // nw
    mesh = plsc.VectorSubcoreMesh(core_axis_name="c", subcore_axis_name="s")

    @functools.partial(
        pl.kernel, mesh=mesh,
        out_type=jax.ShapeDtypeStruct((ee, d), _F32),
        scratch_types=[
            pltpu.VMEM((bpw,), jnp.int32),
            pltpu.VMEM((bpw, d), _F32),
            pltpu.SemaphoreType.DMA,
        ])
    def k(table_hbm, idx_hbm, out_hbm, idx_v, rows_v, sem):
        wid = jax.lax.axis_index("s") * 2 + jax.lax.axis_index("c")
        base = wid * bpw
        pltpu.sync_copy(idx_hbm.at[pl.ds(base, bpw)], idx_v)
        pltpu.async_copy(table_hbm.at[idx_v], rows_v, sem).wait()
        pltpu.sync_copy(rows_v, out_hbm.at[pl.ds(base, bpw)])

    return k(table, idx)



def _layer1_body(x_ref, xg_ref, dst_ref, ea_ref, w1a_ref, b1a_ref,
                 w2a_ref, b2a_ref, w3a_ref, b3a_ref, wb_ref, bbm_ref,
                 root_ref, bias_ref, out_ref, h2_ref, h3_ref, *, in_c, out_c):
    xg = xg_ref[...]
    ee = xg.shape[0]
    nn = x_ref.shape[0]
    ea = ea_ref[...]
    h = jnp.maximum(
        jnp.dot(ea, w1a_ref[...], preferred_element_type=_F32)
        + b1a_ref[...], 0.0)
    h2_ref[...] = jnp.maximum(
        jnp.dot(ea, w2a_ref[...], preferred_element_type=_F32)
        + b2a_ref[...], 0.0)
    h3_ref[...] = jnp.maximum(
        jnp.dot(ea, w3a_ref[...], preferred_element_type=_F32)
        + b3a_ref[...], 0.0)
    acc = jnp.dot(xg, bbm_ref[...], preferred_element_type=_F32)
    for i in range(in_c):
        t = jnp.dot(h, wb_ref[:, i * out_c:(i + 1) * out_c],
                    preferred_element_type=_F32)
        acc = acc + xg[:, i:i + 1] * t
    oht = (jax.lax.broadcasted_iota(jnp.int32, (nn, ee), 0) == dst_ref[...]
           ).astype(_F32)
    out_ref[...] = jnp.dot(oht, acc, preferred_element_type=_F32) \
        + jnp.dot(x_ref[...], root_ref[...], preferred_element_type=_F32) \
        + bias_ref[...]


def _layer_body(x_ref, xgin_ref, dst_ref, h_ref, wb_ref, bbm_ref, root_ref,
                bias_ref, *rest, ck, in_c, pool):
    if pool:
        (b_ref, wf1_ref, bf1_ref, wf2_ref, bf2_ref, wf3_ref, bf3_ref,
         out_ref, xg_ref, acc_ref) = rest
    else:
        (out_ref, xg_ref, acc_ref) = rest
    c = pl.program_id(0)
    ee = xgin_ref.shape[0]
    nn = x_ref.shape[0]

    @pl.when(c == 0)
    def _():
        xg0 = _elu(xgin_ref[...])
        xg_ref[...] = xg0
        acc_ref[...] = jnp.dot(xg0, bbm_ref[...], preferred_element_type=_F32)

    xg = xg_ref[...]
    hblk = h_ref[0]
    grp = max(1, 512 // in_c)
    ts = []
    for m in range(0, ck, grp):
        zz = jnp.concatenate(
            [hblk[:, j:j + 1] * xg for j in range(m, m + grp)], axis=1)
        ts.append(jnp.dot(zz, wb_ref[m * in_c:(m + grp) * in_c, :],
                          preferred_element_type=_F32))
    while len(ts) > 1:
        ts = [ts[i] + ts[i + 1] for i in range(0, len(ts) - 1, 2)] \
            + ([ts[-1]] if len(ts) % 2 else [])
    acc_ref[...] = acc_ref[...] + ts[0]

    @pl.when(c == pl.num_programs(0) - 1)
    def _():
        oht = (jax.lax.broadcasted_iota(jnp.int32, (nn, ee), 0) == dst_ref[...]
               ).astype(_F32)
        xnew = jnp.dot(oht, acc_ref[...], preferred_element_type=_F32) \
            + jnp.dot(_elu(x_ref[...]), root_ref[...],
                      preferred_element_type=_F32) + bias_ref[...]
        if pool:
            gg = out_ref.shape[0]
            h3 = _elu(xnew)
            ohb = (jax.lax.broadcasted_iota(jnp.int32, (gg, nn), 0)
                   == b_ref[...]).astype(_F32)
            sums = jnp.dot(ohb, h3, preferred_element_type=_F32)
            cnt = jnp.sum(ohb, axis=1, keepdims=True)
            pooled = sums / jnp.maximum(cnt, 1.0)
            o = _elu(jnp.dot(pooled, wf1_ref[...],
                             preferred_element_type=_F32) + bf1_ref[...])
            o = _elu(jnp.dot(o, wf2_ref[...], preferred_element_type=_F32)
                     + bf2_ref[...])
            out_ref[...] = jnp.dot(o, wf3_ref[...],
                                   preferred_element_type=_F32) + bf3_ref[...]
        else:
            out_ref[...] = xnew


def _nnconv_l1(x, xg, dst_row, ea_p, w1a_p, b1a, w2a_p, b2a, w3a_p, b3a,
               wb, bbm, root, bias):
    nn = x.shape[0]
    ee = xg.shape[0]
    body = functools.partial(_layer1_body, in_c=37, out_c=128)
    return pl.pallas_call(
        body,
        out_shape=(jax.ShapeDtypeStruct((nn, 128), _F32),
                   jax.ShapeDtypeStruct((ee, 128), _F32),
                   jax.ShapeDtypeStruct((ee, 128), _F32)),
    )(x, xg, dst_row, ea_p, w1a_p, b1a.reshape(1, -1), w2a_p,
      b2a.reshape(1, -1), w3a_p, b3a.reshape(1, -1), wb, bbm, root,
      bias.reshape(1, 128))


def _nnconv_dense(x, xg, dst_row, h, wb, bbm, root, bias, in_c, out_c, hid,
                  pool_args=None):
    nn = x.shape[0]
    ee = xg.shape[0]
    bias2 = bias.reshape(1, out_c)
    ck = 8
    hc = hid // ck
    h3d = h.reshape(ee, hc, ck).transpose(1, 0, 2)
    wbf = wb.reshape(hid * in_c, out_c)
    pool = pool_args is not None
    body = functools.partial(_layer_body, ck=ck, in_c=in_c, pool=pool)
    in_specs = [
        pl.BlockSpec((nn, in_c), lambda c: (0, 0)),
        pl.BlockSpec((ee, in_c), lambda c: (0, 0)),
        pl.BlockSpec((1, ee), lambda c: (0, 0)),
        pl.BlockSpec((1, ee, ck), lambda c: (c, 0, 0)),
        pl.BlockSpec((ck * in_c, out_c), lambda c: (c, 0)),
        pl.BlockSpec((in_c, out_c), lambda c: (0, 0)),
        pl.BlockSpec((in_c, out_c), lambda c: (0, 0)),
        pl.BlockSpec((1, out_c), lambda c: (0, 0)),
    ]
    args = [x, xg, dst_row, h3d, wbf, bbm, root, bias2]
    if pool:
        gg = 64
        in_specs += [pl.BlockSpec(a.shape, lambda c: tuple(0 for _ in a.shape))
                     for a in pool_args]
        args += list(pool_args)
        out_shape = jax.ShapeDtypeStruct((gg, 128), _F32)
        out_specs = pl.BlockSpec((gg, 128), lambda c: (0, 0))
    else:
        out_shape = jax.ShapeDtypeStruct((nn, out_c), _F32)
        out_specs = pl.BlockSpec((nn, out_c), lambda c: (0, 0))
    return pl.pallas_call(
        body,
        grid=(hc,),
        out_shape=out_shape,
        in_specs=in_specs,
        out_specs=out_specs,
        scratch_shapes=[
            pltpu.VMEM((ee, in_c), _F32),
            pltpu.VMEM((ee, out_c), _F32),
        ],
        compiler_params=pltpu.CompilerParams(
            dimension_semantics=("arbitrary",)),
    )(*args)


def _run(x, edge_index, edge_attr, batch, W1a, b1a, W1b, b1b, root1, bias1,
         W2a, b2a, W2b, b2b, root2, bias2, W3a, b3a, W3b, b3b, root3, bias3,
         Wfc1, bfc1, Wfc2, bfc2, Wfc3, bfc3):
    nn = x.shape[0]
    ee = edge_attr.shape[0]
    g = 64
    src = edge_index[0].astype(jnp.int32)
    dst = edge_index[1].astype(jnp.int32)
    batch_row = batch.reshape(1, nn).astype(jnp.int32)

    ea_p = jnp.pad(edge_attr, ((0, 0), (0, 3)))
    w1a_p = jnp.pad(W1a, ((0, 3), (0, 0)))
    w2a_p = jnp.pad(W2a, ((0, 3), (0, 0)))
    w3a_p = jnp.pad(W3a, ((0, 3), (0, 0)))

    x128 = jnp.pad(x, ((0, 0), (0, 91)))
    bbm1 = jnp.pad(b1b.reshape(37, 128), ((0, 91), (0, 0)))

    dst_row = dst.reshape(1, ee)
    xg1 = _sc_gather(x128, src)
    x1r, h2, h3 = _nnconv_l1(x, xg1, dst_row, ea_p, w1a_p, b1a, w2a_p, b2a,
                             w3a_p, b3a, W1b, bbm1, root1, bias1)
    xg2r = _sc_gather(x1r, src)
    x2r = _nnconv_dense(x1r, xg2r, dst_row, h2, W2b, b2b.reshape(128, 256),
                        root2, bias2, 128, 256, 128, None)
    xg3r = _sc_gather(x2r, src)
    wfc3_p = jnp.pad(Wfc3, ((0, 0), (0, 127)))
    bfc3_p = jnp.pad(bfc3.reshape(1, 1), ((0, 0), (0, 127)))
    pool_args = (batch_row, Wfc1, bfc1.reshape(1, -1), Wfc2,
                 bfc2.reshape(1, -1), wfc3_p, bfc3_p)
    o = _nnconv_dense(x2r, xg3r, dst_row, h3, W3b, b3b.reshape(256, 256),
                      root3, bias3, 256, 256, 128, pool_args)
    return o[:, 0]


def kernel(x, edge_index, edge_attr, batch, W1a, b1a, W1b, b1b, root1, bias1,
           W2a, b2a, W2b, b2b, root2, bias2, W3a, b3a, W3b, b3b, root3, bias3,
           Wfc1, bfc1, Wfc2, bfc2, Wfc3, bfc3):
    return _run(x, edge_index, edge_attr, batch, W1a, b1a, W1b, b1b, root1,
                bias1, W2a, b2a, W2b, b2b, root2, bias2, W3a, b3a, W3b, b3b,
                root3, bias3, Wfc1, bfc1, Wfc2, bfc2, Wfc3, bfc3)

# --- scband reference (transcript-rebuilt; emitter-appended) ---
"""Pipeline reference for scband-net-64330020159514 (READ-ONLY COPY).

The authoritative reference and input builder live on the scoring server;
editing this copy changes nothing except your own understanding.
"""

import jax, jax.numpy as jnp
import numpy as np

N = 1024
E = 2048
G = 64

def _w(key, shape, fan_in):
    return (jax.random.normal(key, shape, dtype=jnp.float32) / np.sqrt(fan_in)).astype(jnp.float32)

def setup_inputs(seed: int = 0):
    key = jax.random.key(seed)
    ks = jax.random.split(key, 20)
    inp = {}
    inp['x'] = jax.random.normal(ks[0], (N, 37), dtype=jnp.float32)
    inp['edge_index'] = jax.random.randint(ks[1], (2, E), 0, N)
    inp['edge_attr'] = jax.random.uniform(ks[2], (E, 5), dtype=jnp.float32)
    inp['batch'] = jnp.sort(jax.random.randint(ks[3], (N,), 0, G))
    # conv1 edge-nn: 5 -> 512 -> 37*128, root/bias
    inp['W1a'] = _w(ks[4], (5, 512), 5); inp['b1a'] = jnp.zeros((512,), jnp.float32)
    inp['W1b'] = _w(ks[5], (512, 37 * 128), 512); inp['b1b'] = jnp.zeros((37 * 128,), jnp.float32)
    inp['root1'] = _w(ks[6], (37, 128), 37); inp['bias1'] = jnp.zeros((128,), jnp.float32)
    # conv2 edge-nn: 5 -> 128 -> 128*256
    inp['W2a'] = _w(ks[7], (5, 128), 5); inp['b2a'] = jnp.zeros((128,), jnp.float32)
    inp['W2b'] = _w(ks[8], (128, 128 * 256), 128); inp['b2b'] = jnp.zeros((128 * 256,), jnp.float32)
    inp['root2'] = _w(ks[9], (128, 256), 128); inp['bias2'] = jnp.zeros((256,), jnp.float32)
    # conv3 edge-nn: 5 -> 128 -> 256*256
    inp['W3a'] = _w(ks[10], (5, 128), 5); inp['b3a'] = jnp.zeros((128,), jnp.float32)
    inp['W3b'] = _w(ks[11], (128, 256 * 256), 128); inp['b3b'] = jnp.zeros((256 * 256,), jnp.float32)
    inp['root3'] = _w(ks[12], (256, 256), 256); inp['bias3'] = jnp.zeros((256,), jnp.float32)
    inp['Wfc1'] = _w(ks[13], (256, 128), 256); inp['bfc1'] = jnp.zeros((128,), jnp.float32)
    inp['Wfc2'] = _w(ks[14], (128, 64), 128); inp['bfc2'] = jnp.zeros((64,), jnp.float32)
    inp['Wfc3'] = _w(ks[15], (64, 1), 64); inp['bfc3'] = jnp.zeros((1,), jnp.float32)
    return inp

def _mlp(e, Wa, ba, Wb, bb):
    return jax.nn.relu(e @ Wa + ba) @ Wb + bb

def _nnconv(x, edge_attr, src, dst, Wa, ba, Wb, bb, root, bias, in_c, out_c):
    theta = _mlp(edge_attr, Wa, ba, Wb, bb).reshape(-1, in_c, out_c)
    msg = jnp.einsum('ei,eio->eo', x[src], theta)
    agg = jax.ops.segment_sum(msg, dst, num_segments=x.shape[0])
    return agg + x @ root + bias

def reference(x, edge_index, edge_attr, batch, W1a, b1a, W1b, b1b, root1, bias1, W2a, b2a, W2b, b2b, root2, bias2, W3a, b3a, W3b, b3b, root3, bias3, Wfc1, bfc1, Wfc2, bfc2, Wfc3, bfc3):
    src, dst = edge_index[0], edge_index[1]
    h = jax.nn.elu(_nnconv(x, edge_attr, src, dst, W1a, b1a, W1b, b1b, root1, bias1, 37, 128))
    h = jax.nn.elu(_nnconv(h, edge_attr, src, dst, W2a, b2a, W2b, b2b, root2, bias2, 128, 256))
    h = jax.nn.elu(_nnconv(h, edge_attr, src, dst, W3a, b3a, W3b, b3b, root3, bias3, 256, 256))
    sums = jax.ops.segment_sum(h, batch, num_segments=G)
    cnt = jax.ops.segment_sum(jnp.ones((h.shape[0],), jnp.float32), batch, num_segments=G)
    pooled = sums / jnp.maximum(cnt, 1.0)[:, None]
    o = jax.nn.elu(pooled @ Wfc1 + bfc1)
    o = jax.nn.elu(o @ Wfc2 + bfc2)
    o = o @ Wfc3 + bfc3
    return o.reshape(-1)

if __name__ == "__main__":
    import jax
    _d = setup_inputs()
    print(jax.jit(kernel)(*tuple(_d.values())))

</pallas_src>

<mosaic_0001>
#map = affine_map<(d0, d1) -> (0, 0)>
#map1 = affine_map<(d0, d1) -> (0)>
module attributes {stable_mosaic.version = 14 : i64} {
  func.func @k(%arg0: i32, %arg1: i32, %arg2: memref<1024x128xf32, #tpu.memory_space<hbm>>, %arg3: memref<2048xi32, #tpu.memory_space<hbm>>, %arg4: memref<2048x128xf32, #tpu.memory_space<hbm>>, %arg5: memref<64xi32, #tpu.memory_space<vmem>>, %arg6: memref<64x128xf32, #tpu.memory_space<vmem>>, %arg7: memref<!tpu.dma_semaphore, #tpu.memory_space<semaphore_mem>>) attributes {dimension_semantics = [#tpu.dimension_semantics<core_parallel>, #tpu.dimension_semantics<subcore_parallel>], iteration_bounds = array<i64: 2, 16>, scalar_prefetch = 0 : i64, scratch_operands = 3 : i64, tpu.core_type = #tpu.core_type<sc_vector_subcore>, window_params = [{transform_indices = #map}, {transform_indices = #map1}, {transform_indices = #map}]} {
    %mul3A = arith.constant 2 : i32
    %mul3A_0 = arith.muli %arg1, %mul3A : i32
    %add3A = arith.addi %mul3A_0, %arg0 : i32
    %mul3A_1 = arith.constant 64 : i32
    %mul3A_2 = arith.muli %add3A, %mul3A_1 : i32
    "tpu.region"() ({
      %run_scoped3A = tpu.sem_alloc : memref<!tpu.dma_semaphore, #tpu.memory_space<semaphore_mem>>
      %dma_start3A_7 = tpu.memref_slice %arg3[%mul3A_2] : memref<2048xi32, #tpu.memory_space<hbm>> -> memref<64xi32, #tpu.memory_space<hbm>>
      %dma_start3A_8 = tpu.memref_slice %arg3[%mul3A_2] : memref<2048xi32, #tpu.memory_space<hbm>> -> memref<64xi32, #tpu.memory_space<hbm>>
      tpu.enqueue_dma source(%dma_start3A_8 : memref<64xi32, #tpu.memory_space<hbm>>) target(%arg5 : memref<64xi32, #tpu.memory_space<vmem>>) target_semaphore(%run_scoped3A : memref<!tpu.dma_semaphore, #tpu.memory_space<semaphore_mem>>)
      %dma_wait3A_9 = tpu.memref_slice %arg3[%mul3A_2] : memref<2048xi32, #tpu.memory_space<hbm>> -> memref<64xi32, #tpu.memory_space<hbm>>
      %dma_wait3A_10 = tpu.memref_slice %arg3[%mul3A_2] : memref<2048xi32, #tpu.memory_space<hbm>> -> memref<64xi32, #tpu.memory_space<hbm>>
      tpu.wait_dma2 semaphore(%run_scoped3A : memref<!tpu.dma_semaphore, #tpu.memory_space<semaphore_mem>>) src(%dma_wait3A_10 : memref<64xi32, #tpu.memory_space<hbm>>) dst(%arg5 : memref<64xi32, #tpu.memory_space<vmem>>)
      tpu.yield
    }) : () -> ()
    %dma_start3A = arith.constant 0 : i32
    %dma_start3A_3 = arith.constant 0 : i32
    %dma_start3A_4 = tpu.memref_slice %arg2[%dma_start3A, %dma_start3A_3] : memref<1024x128xf32, #tpu.memory_space<hbm>> -> memref<1024x128xf32, #tpu.memory_space<hbm>>
    tpu.enqueue_indirect_dma source(%dma_start3A_4 : memref<1024x128xf32, #tpu.memory_space<hbm>>) target(%arg6 : memref<64x128xf32, #tpu.memory_space<vmem>>) offsets(%arg5 : memref<64xi32, #tpu.memory_space<vmem>>) semaphore(%arg7 : memref<!tpu.dma_semaphore, #tpu.memory_space<semaphore_mem>>)
    %dma_wait3A = arith.constant 0 : i32
    %dma_wait3A_5 = arith.constant 0 : i32
    %dma_wait3A_6 = tpu.memref_slice %arg2[%dma_wait3A, %dma_wait3A_5] : memref<1024x128xf32, #tpu.memory_space<hbm>> -> memref<1024x128xf32, #tpu.memory_space<hbm>>
    tpu.wait_indirect_dma semaphore(%arg7 : memref<!tpu.dma_semaphore, #tpu.memory_space<semaphore_mem>>) src(%dma_wait3A_6 : memref<1024x128xf32, #tpu.memory_space<hbm>>) dst(%arg6 : memref<64x128xf32, #tpu.memory_space<vmem>>)
    "tpu.region"() ({
      %run_scoped3A = tpu.sem_alloc : memref<!tpu.dma_semaphore, #tpu.memory_space<semaphore_mem>>
      %dma_start3A_7 = arith.constant 0 : i32
      %dma_start3A_8 = tpu.memref_slice %arg4[%mul3A_2, %dma_start3A_7] : memref<2048x128xf32, #tpu.memory_space<hbm>> -> memref<64x128xf32, #tpu.memory_space<hbm>>
      %dma_start3A_9 = arith.constant 0 : i32
      %dma_start3A_10 = tpu.memref_slice %arg4[%mul3A_2, %dma_start3A_9] : memref<2048x128xf32, #tpu.memory_space<hbm>> -> memref<64x128xf32, #tpu.memory_space<hbm>>
      tpu.enqueue_dma source(%arg6 : memref<64x128xf32, #tpu.memory_space<vmem>>) target(%dma_start3A_10 : memref<64x128xf32, #tpu.memory_space<hbm>>) target_semaphore(%run_scoped3A : memref<!tpu.dma_semaphore, #tpu.memory_space<semaphore_mem>>)
      %dma_wait3A_11 = arith.constant 0 : i32
      %dma_wait3A_12 = tpu.memref_slice %arg4[%mul3A_2, %dma_wait3A_11] : memref<2048x128xf32, #tpu.memory_space<hbm>> -> memref<64x128xf32, #tpu.memory_space<hbm>>
      %dma_wait3A_13 = arith.constant 0 : i32
      %dma_wait3A_14 = tpu.memref_slice %arg4[%mul3A_2, %dma_wait3A_13] : memref<2048x128xf32, #tpu.memory_space<hbm>> -> memref<64x128xf32, #tpu.memory_space<hbm>>
      tpu.wait_dma2 semaphore(%run_scoped3A : memref<!tpu.dma_semaphore, #tpu.memory_space<semaphore_mem>>) src(%arg6 : memref<64x128xf32, #tpu.memory_space<vmem>>) dst(%dma_wait3A_14 : memref<64x128xf32, #tpu.memory_space<hbm>>)
      tpu.yield
    }) : () -> ()
    return
  }
}

#map = affine_map<(d0, d1) -> (0, 0)>
#map1 = affine_map<(d0, d1) -> (0)>
module attributes {stable_mosaic.version = 14 : i64} {
  func.func @k(%arg0: i32, %arg1: i32, %arg2: memref<1024x256xf32, #tpu.memory_space<hbm>>, %arg3: memref<2048xi32, #tpu.memory_space<hbm>>, %arg4: memref<2048x256xf32, #tpu.memory_space<hbm>>, %arg5: memref<64xi32, #tpu.memory_space<vmem>>, %arg6: memref<64x256xf32, #tpu.memory_space<vmem>>, %arg7: memref<!tpu.dma_semaphore, #tpu.memory_space<semaphore_mem>>) attributes {dimension_semantics = [#tpu.dimension_semantics<core_parallel>, #tpu.dimension_semantics<subcore_parallel>], iteration_bounds = array<i64: 2, 16>, scalar_prefetch = 0 : i64, scratch_operands = 3 : i64, tpu.core_type = #tpu.core_type<sc_vector_subcore>, window_params = [{transform_indices = #map}, {transform_indices = #map1}, {transform_indices = #map}]} {
    %mul3A = arith.constant 2 : i32
    %mul3A_0 = arith.muli %arg1, %mul3A : i32
    %add3A = arith.addi %mul3A_0, %arg0 : i32
    %mul3A_1 = arith.constant 64 : i32
    %mul3A_2 = arith.muli %add3A, %mul3A_1 : i32
    "tpu.region"() ({
      %run_scoped3A = tpu.sem_alloc : memref<!tpu.dma_semaphore, #tpu.memory_space<semaphore_mem>>
      %dma_start3A_7 = tpu.memref_slice %arg3[%mul3A_2] : memref<2048xi32, #tpu.memory_space<hbm>> -> memref<64xi32, #tpu.memory_space<hbm>>
      %dma_start3A_8 = tpu.memref_slice %arg3[%mul3A_2] : memref<2048xi32, #tpu.memory_space<hbm>> -> memref<64xi32, #tpu.memory_space<hbm>>
      tpu.enqueue_dma source(%dma_start3A_8 : memref<64xi32, #tpu.memory_space<hbm>>) target(%arg5 : memref<64xi32, #tpu.memory_space<vmem>>) target_semaphore(%run_scoped3A : memref<!tpu.dma_semaphore, #tpu.memory_space<semaphore_mem>>)
      %dma_wait3A_9 = tpu.memref_slice %arg3[%mul3A_2] : memref<2048xi32, #tpu.memory_space<hbm>> -> memref<64xi32, #tpu.memory_space<hbm>>
      %dma_wait3A_10 = tpu.memref_slice %arg3[%mul3A_2] : memref<2048xi32, #tpu.memory_space<hbm>> -> memref<64xi32, #tpu.memory_space<hbm>>
      tpu.wait_dma2 semaphore(%run_scoped3A : memref<!tpu.dma_semaphore, #tpu.memory_space<semaphore_mem>>) src(%dma_wait3A_10 : memref<64xi32, #tpu.memory_space<hbm>>) dst(%arg5 : memref<64xi32, #tpu.memory_space<vmem>>)
      tpu.yield
    }) : () -> ()
    %dma_start3A = arith.constant 0 : i32
    %dma_start3A_3 = arith.constant 0 : i32
    %dma_start3A_4 = tpu.memref_slice %arg2[%dma_start3A, %dma_start3A_3] : memref<1024x256xf32, #tpu.memory_space<hbm>> -> memref<1024x256xf32, #tpu.memory_space<hbm>>
    tpu.enqueue_indirect_dma source(%dma_start3A_4 : memref<1024x256xf32, #tpu.memory_space<hbm>>) target(%arg6 : memref<64x256xf32, #tpu.memory_space<vmem>>) offsets(%arg5 : memref<64xi32, #tpu.memory_space<vmem>>) semaphore(%arg7 : memref<!tpu.dma_semaphore, #tpu.memory_space<semaphore_mem>>)
    %dma_wait3A = arith.constant 0 : i32
    %dma_wait3A_5 = arith.constant 0 : i32
    %dma_wait3A_6 = tpu.memref_slice %arg2[%dma_wait3A, %dma_wait3A_5] : memref<1024x256xf32, #tpu.memory_space<hbm>> -> memref<1024x256xf32, #tpu.memory_space<hbm>>
    tpu.wait_indirect_dma semaphore(%arg7 : memref<!tpu.dma_semaphore, #tpu.memory_space<semaphore_mem>>) src(%dma_wait3A_6 : memref<1024x256xf32, #tpu.memory_space<hbm>>) dst(%arg6 : memref<64x256xf32, #tpu.memory_space<vmem>>)
    "tpu.region"() ({
      %run_scoped3A = tpu.sem_alloc : memref<!tpu.dma_semaphore, #tpu.memory_space<semaphore_mem>>
      %dma_start3A_7 = arith.constant 0 : i32
      %dma_start3A_8 = tpu.memref_slice %arg4[%mul3A_2, %dma_start3A_7] : memref<2048x256xf32, #tpu.memory_space<hbm>> -> memref<64x256xf32, #tpu.memory_space<hbm>>
      %dma_start3A_9 = arith.constant 0 : i32
      %dma_start3A_10 = tpu.memref_slice %arg4[%mul3A_2, %dma_start3A_9] : memref<2048x256xf32, #tpu.memory_space<hbm>> -> memref<64x256xf32, #tpu.memory_space<hbm>>
      tpu.enqueue_dma source(%arg6 : memref<64x256xf32, #tpu.memory_space<vmem>>) target(%dma_start3A_10 : memref<64x256xf32, #tpu.memory_space<hbm>>) target_semaphore(%run_scoped3A : memref<!tpu.dma_semaphore, #tpu.memory_space<semaphore_mem>>)
      %dma_wait3A_11 = arith.constant 0 : i32
      %dma_wait3A_12 = tpu.memref_slice %arg4[%mul3A_2, %dma_wait3A_11] : memref<2048x256xf32, #tpu.memory_space<hbm>> -> memref<64x256xf32, #tpu.memory_space<hbm>>
      %dma_wait3A_13 = arith.constant 0 : i32
      %dma_wait3A_14 = tpu.memref_slice %arg4[%mul3A_2, %dma_wait3A_13] : memref<2048x256xf32, #tpu.memory_space<hbm>> -> memref<64x256xf32, #tpu.memory_space<hbm>>
      tpu.wait_dma2 semaphore(%run_scoped3A : memref<!tpu.dma_semaphore, #tpu.memory_space<semaphore_mem>>) src(%arg6 : memref<64x256xf32, #tpu.memory_space<vmem>>) dst(%dma_wait3A_14 : memref<64x256xf32, #tpu.memory_space<hbm>>)
      tpu.yield
    }) : () -> ()
    return
  }
}

#map = affine_map<(d0, d1) -> (0, 0)>
#map1 = affine_map<(d0, d1) -> (0)>
module attributes {stable_mosaic.version = 14 : i64} {
  func.func @k(%arg0: i32, %arg1: i32, %arg2: memref<1024x128xf32, #tpu.memory_space<hbm>>, %arg3: memref<2048xi32, #tpu.memory_space<hbm>>, %arg4: memref<2048x128xf32, #tpu.memory_space<hbm>>, %arg5: memref<64xi32, #tpu.memory_space<vmem>>, %arg6: memref<64x128xf32, #tpu.memory_space<vmem>>, %arg7: memref<!tpu.dma_semaphore, #tpu.memory_space<semaphore_mem>>) attributes {dimension_semantics = [#tpu.dimension_semantics<core_parallel>, #tpu.dimension_semantics<subcore_parallel>], iteration_bounds = array<i64: 2, 16>, scalar_prefetch = 0 : i64, scratch_operands = 3 : i64, tpu.core_type = #tpu.core_type<sc_vector_subcore>, window_params = [{transform_indices = #map}, {transform_indices = #map1}, {transform_indices = #map}]} {
    %mul3A = arith.constant 2 : i32
    %mul3A_0 = arith.muli %arg1, %mul3A : i32
    %add3A = arith.addi %mul3A_0, %arg0 : i32
    %mul3A_1 = arith.constant 64 : i32
    %mul3A_2 = arith.muli %add3A, %mul3A_1 : i32
    "tpu.region"() ({
      %run_scoped3A = tpu.sem_alloc : memref<!tpu.dma_semaphore, #tpu.memory_space<semaphore_mem>>
      %dma_start3A_7 = tpu.memref_slice %arg3[%mul3A_2] : memref<2048xi32, #tpu.memory_space<hbm>> -> memref<64xi32, #tpu.memory_space<hbm>>
      %dma_start3A_8 = tpu.memref_slice %arg3[%mul3A_2] : memref<2048xi32, #tpu.memory_space<hbm>> -> memref<64xi32, #tpu.memory_space<hbm>>
      tpu.enqueue_dma source(%dma_start3A_8 : memref<64xi32, #tpu.memory_space<hbm>>) target(%arg5 : memref<64xi32, #tpu.memory_space<vmem>>) target_semaphore(%run_scoped3A : memref<!tpu.dma_semaphore, #tpu.memory_space<semaphore_mem>>)
      %dma_wait3A_9 = tpu.memref_slice %arg3[%mul3A_2] : memref<2048xi32, #tpu.memory_space<hbm>> -> memref<64xi32, #tpu.memory_space<hbm>>
      %dma_wait3A_10 = tpu.memref_slice %arg3[%mul3A_2] : memref<2048xi32, #tpu.memory_space<hbm>> -> memref<64xi32, #tpu.memory_space<hbm>>
      tpu.wait_dma2 semaphore(%run_scoped3A : memref<!tpu.dma_semaphore, #tpu.memory_space<semaphore_mem>>) src(%dma_wait3A_10 : memref<64xi32, #tpu.memory_space<hbm>>) dst(%arg5 : memref<64xi32, #tpu.memory_space<vmem>>)
      tpu.yield
    }) : () -> ()
    %dma_start3A = arith.constant 0 : i32
    %dma_start3A_3 = arith.constant 0 : i32
    %dma_start3A_4 = tpu.memref_slice %arg2[%dma_start3A, %dma_start3A_3] : memref<1024x128xf32, #tpu.memory_space<hbm>> -> memref<1024x128xf32, #tpu.memory_space<hbm>>
    tpu.enqueue_indirect_dma source(%dma_start3A_4 : memref<1024x128xf32, #tpu.memory_space<hbm>>) target(%arg6 : memref<64x128xf32, #tpu.memory_space<vmem>>) offsets(%arg5 : memref<64xi32, #tpu.memory_space<vmem>>) semaphore(%arg7 : memref<!tpu.dma_semaphore, #tpu.memory_space<semaphore_mem>>)
    %dma_wait3A = arith.constant 0 : i32
    %dma_wait3A_5 = arith.constant 0 : i32
    %dma_wait3A_6 = tpu.memref_slice %arg2[%dma_wait3A, %dma_wait3A_5] : memref<1024x128xf32, #tpu.memory_space<hbm>> -> memref<1024x128xf32, #tpu.memory_space<hbm>>
    tpu.wait_indirect_dma semaphore(%arg7 : memref<!tpu.dma_semaphore, #tpu.memory_space<semaphore_mem>>) src(%dma_wait3A_6 : memref<1024x128xf32, #tpu.memory_space<hbm>>) dst(%arg6 : memref<64x128xf32, #tpu.memory_space<vmem>>)
    "tpu.region"() ({
      %run_scoped3A = tpu.sem_alloc : memref<!tpu.dma_semaphore, #tpu.memory_space<semaphore_mem>>
      %dma_start3A_7 = arith.constant 0 : i32
      %dma_start3A_8 = tpu.memref_slice %arg4[%mul3A_2, %dma_start3A_7] : memref<2048x128xf32, #tpu.memory_space<hbm>> -> memref<64x128xf32, #tpu.memory_space<hbm>>
      %dma_start3A_9 = arith.constant 0 : i32
      %dma_start3A_10 = tpu.memref_slice %arg4[%mul3A_2, %dma_start3A_9] : memref<2048x128xf32, #tpu.memory_space<hbm>> -> memref<64x128xf32, #tpu.memory_space<hbm>>
      tpu.enqueue_dma source(%arg6 : memref<64x128xf32, #tpu.memory_space<vmem>>) target(%dma_start3A_10 : memref<64x128xf32, #tpu.memory_space<hbm>>) target_semaphore(%run_scoped3A : memref<!tpu.dma_semaphore, #tpu.memory_space<semaphore_mem>>)
      %dma_wait3A_11 = arith.constant 0 : i32
      %dma_wait3A_12 = tpu.memref_slice %arg4[%mul3A_2, %dma_wait3A_11] : memref<2048x128xf32, #tpu.memory_space<hbm>> -> memref<64x128xf32, #tpu.memory_space<hbm>>
      %dma_wait3A_13 = arith.constant 0 : i32
      %dma_wait3A_14 = tpu.memref_slice %arg4[%mul3A_2, %dma_wait3A_13] : memref<2048x128xf32, #tpu.memory_space<hbm>> -> memref<64x128xf32, #tpu.memory_space<hbm>>
      tpu.wait_dma2 semaphore(%run_scoped3A : memref<!tpu.dma_semaphore, #tpu.memory_space<semaphore_mem>>) src(%arg6 : memref<64x128xf32, #tpu.memory_space<vmem>>) dst(%dma_wait3A_14 : memref<64x128xf32, #tpu.memory_space<hbm>>)
      tpu.yield
    }) : () -> ()
    return
  }
}

module attributes {stable_mosaic.version = 14 : i64} {
  func.func @_layer1_body(%arg0: memref<1024x37xf32, #tpu.memory_space<vmem>>, %arg1: memref<2048x128xf32, #tpu.memory_space<vmem>>, %arg2: memref<1x2048xi32, #tpu.memory_space<vmem>>, %arg3: memref<2048x8xf32, #tpu.memory_space<vmem>>, %arg4: memref<8x512xf32, #tpu.memory_space<vmem>>, %arg5: memref<1x512xf32, #tpu.memory_space<vmem>>, %arg6: memref<8x128xf32, #tpu.memory_space<vmem>>, %arg7: memref<1x128xf32, #tpu.memory_space<vmem>>, %arg8: memref<8x128xf32, #tpu.memory_space<vmem>>, %arg9: memref<1x128xf32, #tpu.memory_space<vmem>>, %arg10: memref<512x4736xf32, #tpu.memory_space<vmem>>, %arg11: memref<128x128xf32, #tpu.memory_space<vmem>>, %arg12: memref<37x128xf32, #tpu.memory_space<vmem>>, %arg13: memref<1x128xf32, #tpu.memory_space<vmem>>, %arg14: memref<1024x128xf32, #tpu.memory_space<vmem>>, %arg15: memref<2048x128xf32, #tpu.memory_space<vmem>>, %arg16: memref<2048x128xf32, #tpu.memory_space<vmem>>) attributes {dimension_semantics = [], scalar_prefetch = 0 : i64, scratch_operands = 0 : i64, tpu.core_type = #tpu.core_type<tc>} {
    %get3A = arith.constant 0 : index
    %get3A_0 = arith.constant 0 : index
    %get3A_1 = vector.load %arg1[%get3A, %get3A_0] : memref<2048x128xf32, #tpu.memory_space<vmem>>, vector<2048x128xf32>
    %get3A_2 = arith.constant 0 : index
    %get3A_3 = arith.constant 0 : index
    %get3A_4 = vector.load %arg3[%get3A_2, %get3A_3] : memref<2048x8xf32, #tpu.memory_space<vmem>>, vector<2048x8xf32>
    %get3A_5 = arith.constant 0 : index
    %get3A_6 = arith.constant 0 : index
    %get3A_7 = vector.load %arg4[%get3A_5, %get3A_6] : memref<8x512xf32, #tpu.memory_space<vmem>>, vector<8x512xf32>
    %dot_general3A = arith.constant dense<0.000000e+00> : vector<2048x512xf32>
    %dot_general3A_8 = tpu.matmul %get3A_4, %get3A_7, %dot_general3A {dimension_numbers = #tpu.dot_dimension_numbers<[1], [0], [0], [1], [0, 0, 1, 1], [], []>, transpose_lhs_hint = false} : vector<2048x8xf32>, vector<8x512xf32>, vector<2048x512xf32> -> vector<2048x512xf32>
    %get3A_9 = arith.constant 0 : index
    %get3A_10 = arith.constant 0 : index
    %get3A_11 = vector.load %arg5[%get3A_9, %get3A_10] : memref<1x512xf32, #tpu.memory_space<vmem>>, vector<1x512xf32>
    %add3A = vector.broadcast %get3A_11 : vector<1x512xf32> to vector<2048x512xf32>
    %add3A_12 = arith.addf %dot_general3A_8, %add3A : vector<2048x512xf32>
    %max3A = arith.constant 0.000000e+00 : f32
    %max3A_13 = vector.broadcast %max3A : f32 to vector<2048x512xf32>
    %max3A_14 = arith.maximumf %add3A_12, %max3A_13 : vector<2048x512xf32>
    %get3A_15 = arith.constant 0 : index
    %get3A_16 = arith.constant 0 : index
    %get3A_17 = vector.load %arg6[%get3A_15, %get3A_16] : memref<8x128xf32, #tpu.memory_space<vmem>>, vector<8x128xf32>
    %dot_general3A_18 = arith.constant dense<0.000000e+00> : vector<2048x128xf32>
    %dot_general3A_19 = tpu.matmul %get3A_4, %get3A_17, %dot_general3A_18 {dimension_numbers = #tpu.dot_dimension_numbers<[1], [0], [0], [1], [0, 0, 1, 1], [], []>, transpose_lhs_hint = false} : vector<2048x8xf32>, vector<8x128xf32>, vector<2048x128xf32> -> vector<2048x128xf32>
    %get3A_20 = arith.constant 0 : index
    %get3A_21 = arith.constant 0 : index
    %get3A_22 = vector.load %arg7[%get3A_20, %get3A_21] : memref<1x128xf32, #tpu.memory_space<vmem>>, vector<1x128xf32>
    %add3A_23 = vector.broadcast %get3A_22 : vector<1x128xf32> to vector<2048x128xf32>
    %add3A_24 = arith.addf %dot_general3A_19, %add3A_23 : vector<2048x128xf32>
    %max3A_25 = arith.constant 0.000000e+00 : f32
    %max3A_26 = vector.broadcast %max3A_25 : f32 to vector<2048x128xf32>
    %max3A_27 = arith.maximumf %add3A_24, %max3A_26 : vector<2048x128xf32>
    %swap3A = arith.constant 0 : index
    %swap3A_28 = arith.constant 0 : index
    %swap3A_29 = vector.load %arg15[%swap3A, %swap3A_28] : memref<2048x128xf32, #tpu.memory_space<vmem>>, vector<2048x128xf32>
    tpu.vector_store %arg15[%swap3A, %swap3A_28], %max3A_27 {strides = array<i32>} : memref<2048x128xf32, #tpu.memory_space<vmem>>, vector<2048x128xf32>,
    %get3A_30 = arith.constant 0 : index
    %get3A_31 = arith.constant 0 : index
    %get3A_32 = vector.load %arg8[%get3A_30, %get3A_31] : memref<8x128xf32, #tpu.memory_space<vmem>>, vector<8x128xf32>
    %dot_general3A_33 = arith.constant dense<0.000000e+00> : vector<2048x128xf32>
    %dot_general3A_34 = tpu.matmul %get3A_4, %get3A_32, %dot_general3A_33 {dimension_numbers = #tpu.dot_dimension_numbers<[1], [0], [0], [1], [0, 0, 1, 1], [], []>, transpose_lhs_hint = false} : vector<2048x8xf32>, vector<8x128xf32>, vector<2048x128xf32> -> vector<2048x128xf32>
    %get3A_35 = arith.constant 0 : index
    %get3A_36 = arith.constant 0 : index
    %get3A_37 = vector.load %arg9[%get3A_35, %get3A_36] : memref<1x128xf32, #tpu.memory_space<vmem>>, vector<1x128xf32>
    %add3A_38 = vector.broadcast %get3A_37 : vector<1x128xf32> to vector<2048x128xf32>
    %add3A_39 = arith.addf %dot_general3A_34, %add3A_38 : vector<2048x128xf32>
    %max3A_40 = arith.constant 0.000000e+00 : f32
    %max3A_41 = vector.broadcast %max3A_40 : f32 to vector<2048x128xf32>
    %max3A_42 = arith.maximumf %add3A_39, %max3A_41 : vector<2048x128xf32>
    %swap3A_43 = arith.constant 0 : index
    %swap3A_44 = arith.constant 0 : index
    %swap3A_45 = vector.load %arg16[%swap3A_43, %swap3A_44] : memref<2048x128xf32, #tpu.memory_space<vmem>>, vector<2048x128xf32>
    tpu.vector_store %arg16[%swap3A_43, %swap3A_44], %max3A_42 {strides = array<i32>} : memref<2048x128xf32, #tpu.memory_space<vmem>>, vector<2048x128xf32>,
    %get3A_46 = arith.constant 0 : index
    %get3A_47 = arith.constant 0 : index
    %get3A_48 = vector.load %arg11[%get3A_46, %get3A_47] : memref<128x128xf32, #tpu.memory_space<vmem>>, vector<128x128xf32>
    %dot_general3A_49 = arith.constant dense<0.000000e+00> : vector<2048x128xf32>
    %dot_general3A_50 = tpu.matmul %get3A_1, %get3A_48, %dot_general3A_49 {dimension_numbers = #tpu.dot_dimension_numbers<[1], [0], [0], [1], [0, 0, 1, 1], [], []>, transpose_lhs_hint = false} : vector<2048x128xf32>, vector<128x128xf32>, vector<2048x128xf32> -> vector<2048x128xf32>
    %get3A_51 = arith.constant 0 : index
    %get3A_52 = arith.constant 0 : index
    %get3A_53 = vector.load %arg10[%get3A_51, %get3A_52] : memref<512x4736xf32, #tpu.memory_space<vmem>>, vector<512x128xf32>
    %dot_general3A_54 = arith.constant dense<0.000000e+00> : vector<2048x128xf32>
    %dot_general3A_55 = tpu.matmul %max3A_14, %get3A_53, %dot_general3A_54 {dimension_numbers = #tpu.dot_dimension_numbers<[1], [0], [0], [1], [0, 0, 1, 1], [], []>, transpose_lhs_hint = false} : vector<2048x512xf32>, vector<512x128xf32>, vector<2048x128xf32> -> vector<2048x128xf32>
    %slice3A = vector.extract_strided_slice %get3A_1 {offsets = [0, 0], sizes = [2048, 1], strides = [1, 1]} : vector<2048x128xf32> to vector<2048x1xf32>
    %mul3A = vector.broadcast %slice3A : vector<2048x1xf32> to vector<2048x128xf32>
    %mul3A_56 = arith.mulf %mul3A, %dot_general3A_55 : vector<2048x128xf32>
    %add3A_57 = arith.addf %dot_general3A_50, %mul3A_56 : vector<2048x128xf32>
    %get3A_58 = arith.constant 0 : index
    %get3A_59 = arith.constant 128 : index
    %get3A_60 = vector.load %arg10[%get3A_58, %get3A_59] : memref<512x4736xf32, #tpu.memory_space<vmem>>, vector<512x128xf32>
    %dot_general3A_61 = arith.constant dense<0.000000e+00> : vector<2048x128xf32>
    %dot_general3A_62 = tpu.matmul %max3A_14, %get3A_60, %dot_general3A_61 {dimension_numbers = #tpu.dot_dimension_numbers<[1], [0], [0], [1], [0, 0, 1, 1], [], []>, transpose_lhs_hint = false} : vector<2048x512xf32>, vector<512x128xf32>, vector<2048x128xf32> -> vector<2048x128xf32>
    %slice3A_63 = vector.extract_strided_slice %get3A_1 {offsets = [0, 1], sizes = [2048, 1], strides = [1, 1]} : vector<2048x128xf32> to vector<2048x1xf32>
    %mul3A_64 = vector.broadcast %slice3A_63 : vector<2048x1xf32> to vector<2048x128xf32>
    %mul3A_65 = arith.mulf %mul3A_64, %dot_general3A_62 : vector<2048x128xf32>
    %add3A_66 = arith.addf %add3A_57, %mul3A_65 : vector<2048x128xf32>
    %get3A_67 = arith.constant 0 : index
    %get3A_68 = arith.constant 256 : index
    %get3A_69 = vector.load %arg10[%get3A_67, %get3A_68] : memref<512x4736xf32, #tpu.memory_space<vmem>>, vector<512x128xf32>
    %dot_general3A_70 = arith.constant dense<0.000000e+00> : vector<2048x128xf32>
    %dot_general3A_71 = tpu.matmul %max3A_14, %get3A_69, %dot_general3A_70 {dimension_numbers = #tpu.dot_dimension_numbers<[1], [0], [0], [1], [0, 0, 1, 1], [], []>, transpose_lhs_hint = false} : vector<2048x512xf32>, vector<512x128xf32>, vector<2048x128xf32> -> vector<2048x128xf32>
    %slice3A_72 = vector.extract_strided_slice %get3A_1 {offsets = [0, 2], sizes = [2048, 1], strides = [1, 1]} : vector<2048x128xf32> to vector<2048x1xf32>
    %mul3A_73 = vector.broadcast %slice3A_72 : vector<2048x1xf32> to vector<2048x128xf32>
    %mul3A_74 = arith.mulf %mul3A_73, %dot_general3A_71 : vector<2048x128xf32>
    %add3A_75 = arith.addf %add3A_66, %mul3A_74 : vector<2048x128xf32>
    %get3A_76 = arith.constant 0 : index
    %get3A_77 = arith.constant 384 : index
    %get3A_78 = vector.load %arg10[%get3A_76, %get3A_77] : memref<512x4736xf32, #tpu.memory_space<vmem>>, vector<512x128xf32>
    %dot_general3A_79 = arith.constant dense<0.000000e+00> : vector<2048x128xf32>
    %dot_general3A_80 = tpu.matmul %max3A_14, %get3A_78, %dot_general3A_79 {dimension_numbers = #tpu.dot_dimension_numbers<[1], [0], [0], [1], [0, 0, 1, 1], [], []>, transpose_lhs_hint = false} : vector<2048x512xf32>, vector<512x128xf32>, vector<2048x128xf32> -> vector<2048x128xf32>
    %slice3A_81 = vector.extract_strided_slice %get3A_1 {offsets = [0, 3], sizes = [2048, 1], strides = [1, 1]} : vector<2048x128xf32> to vector<2048x1xf32>
    %mul3A_82 = vector.broadcast %slice3A_81 : vector<2048x1xf32> to vector<2048x128xf32>
    %mul3A_83 = arith.mulf %mul3A_82, %dot_general3A_80 : vector<2048x128xf32>
    %add3A_84 = arith.addf %add3A_75, %mul3A_83 : vector<2048x128xf32>
    %get3A_85 = arith.constant 0 : index
    %get3A_86 = arith.constant 512 : index
    %get3A_87 = vector.load %arg10[%get3A_85, %get3A_86] : memref<512x4736xf32, #tpu.memory_space<vmem>>, vector<512x128xf32>
    %dot_general3A_88 = arith.constant dense<0.000000e+00> : vector<2048x128xf32>
    %dot_general3A_89 = tpu.matmul %max3A_14, %get3A_87, %dot_general3A_88 {dimension_numbers = #tpu.dot_dimension_numbers<[1], [0], [0], [1], [0, 0, 1, 1], [], []>, transpose_lhs_hint = false} : vector<2048x512xf32>, vector<512x128xf32>, vector<2048x128xf32> -> vector<2048x128xf32>
    %slice3A_90 = vector.extract_strided_slice %get3A_1 {offsets = [0, 4], sizes = [2048, 1], strides = [1, 1]} : vector<2048x128xf32> to vector<2048x1xf32>
    %mul3A_91 = vector.broadcast %slice3A_90 : vector<2048x1xf32> to vector<2048x128xf32>
    %mul3A_92 = arith.mulf %mul3A_91, %dot_general3A_89 : vector<2048x128xf32>
    %add3A_93 = arith.addf %add3A_84, %mul3A_92 : vector<2048x128xf32>
    %get3A_94 = arith.constant 0 : index
    %get3A_95 = arith.constant 640 : index
    %get3A_96 = vector.load %arg10[%get3A_94, %get3A_95] : memref<512x4736xf32, #tpu.memory_space<vmem>>, vector<512x128xf32>
    %dot_general3A_97 = arith.constant dense<0.000000e+00> : vector<2048x128xf32>
    %dot_general3A_98 = tpu.matmul %max3A_14, %get3A_96, %dot_general3A_97 {dimension_numbers = #tpu.dot_dimension_numbers<[1], [0], [0], [1], [0, 0, 1, 1], [], []>, transpose_lhs_hint = false} : vector<2048x512xf32>, vector<512x128xf32>, vector<2048x128xf32> -> vector<2048x128xf32>
    %slice3A_99 = vector.extract_strided_slice %get3A_1 {offsets = [0, 5], sizes = [2048, 1], strides = [1, 1]} : vector<2048x128xf32> to vector<2048x1xf32>
    %mul3A_100 = vector.broadcast %slice3A_99 : vector<2048x1xf32> to vector<2048x128xf32>
    %mul3A_101 = arith.mulf %mul3A_100, %dot_general3A_98 : vector<2048x128xf32>
    %add3A_102 = arith.addf %add3A_93, %mul3A_101 : vector<2048x128xf32>
    %get3A_103 = arith.constant 0 : index
    %get3A_104 = arith.constant 768 : index
    %get3A_105 = vector.load %arg10[%get3A_103, %get3A_104] : memref<512x4736xf32, #tpu.memory_space<vmem>>, vector<512x128xf32>
    %dot_general3A_106 = arith.constant dense<0.000000e+00> : vector<2048x128xf32>
    %dot_general3A_107 = tpu.matmul %max3A_14, %get3A_105, %dot_general3A_106 {dimension_numbers = #tpu.dot_dimension_numbers<[1], [0], [0], [1], [0, 0, 1, 1], [], []>, transpose_lhs_hint = false} : vector<2048x512xf32>, vector<512x128xf32>, vector<2048x128xf32> -> vector<2048x128xf32>
    %slice3A_108 = vector.extract_strided_slice %get3A_1 {offsets = [0, 6], sizes = [2048, 1], strides = [1, 1]} : vector<2048x128xf32> to vector<2048x1xf32>
    %mul3A_109 = vector.broadcast %slice3A_108 : vector<2048x1xf32> to vector<2048x128xf32>
    %mul3A_110 = arith.mulf %mul3A_109, %dot_general3A_107 : vector<2048x128xf32>
    %add3A_111 = arith.addf %add3A_102, %mul3A_110 : vector<2048x128xf32>
    %get3A_112 = arith.constant 0 : index
    %get3A_113 = arith.constant 896 : index
    %get3A_114 = vector.load %arg10[%get3A_112, %get3A_113] : memref<512x4736xf32, #tpu.memory_space<vmem>>, vector<512x128xf32>
    %dot_general3A_115 = arith.constant dense<0.000000e+00> : vector<2048x128xf32>
    %dot_general3A_116 = tpu.matmul %max3A_14, %get3A_114, %dot_general3A_115 {dimension_numbers = #tpu.dot_dimension_numbers<[1], [0], [0], [1], [0, 0, 1, 1], [], []>, transpose_lhs_hint = false} : vector<2048x512xf32>, vector<512x128xf32>, vector<2048x128xf32> -> vector<2048x128xf32>
    %slice3A_117 = vector.extract_strided_slice %get3A_1 {offsets = [0, 7], sizes = [2048, 1], strides = [1, 1]} : vector<2048x128xf32> to vector<2048x1xf32>
    %mul3A_118 = vector.broadcast %slice3A_117 : vector<2048x1xf32> to vector<2048x128xf32>
    %mul3A_119 = arith.mulf %mul3A_118, %dot_general3A_116 : vector<2048x128xf32>
    %add3A_120 = arith.addf %add3A_111, %mul3A_119 : vector<2048x128xf32>
    %get3A_121 = arith.constant 0 : index
    %get3A_122 = arith.constant 1024 : index
    %get3A_123 = vector.load %arg10[%get3A_121, %get3A_122] : memref<512x4736xf32, #tpu.memory_space<vmem>>, vector<512x128xf32>
    %dot_general3A_124 = arith.constant dense<0.000000e+00> : vector<2048x128xf32>
    %dot_general3A_125 = tpu.matmul %max3A_14, %get3A_123, %dot_general3A_124 {dimension_numbers = #tpu.dot_dimension_numbers<[1], [0], [0], [1], [0, 0, 1, 1], [], []>, transpose_lhs_hint = false} : vector<2048x512xf32>, vector<512x128xf32>, vector<2048x128xf32> -> vector<2048x128xf32>
    %slice3A_126 = vector.extract_strided_slice %get3A_1 {offsets = [0, 8], sizes = [2048, 1], strides = [1, 1]} : vector<2048x128xf32> to vector<2048x1xf32>
    %mul3A_127 = vector.broadcast %slice3A_126 : vector<2048x1xf32> to vector<2048x128xf32>
    %mul3A_128 = arith.mulf %mul3A_127, %dot_general3A_125 : vector<2048x128xf32>
    %add3A_129 = arith.addf %add3A_120, %mul3A_128 : vector<2048x128xf32>
    %get3A_130 = arith.constant 0 : index
    %get3A_131 = arith.constant 1152 : index
    %get3A_132 = vector.load %arg10[%get3A_130, %get3A_131] : memref<512x4736xf32, #tpu.memory_space<vmem>>, vector<512x128xf32>
    %dot_general3A_133 = arith.constant dense<0.000000e+00> : vector<2048x128xf32>
    %dot_general3A_134 = tpu.matmul %max3A_14, %get3A_132, %dot_general3A_133 {dimension_numbers = #tpu.dot_dimension_numbers<[1], [0], [0], [1], [0, 0, 1, 1], [], []>, transpose_lhs_hint = false} : vector<2048x512xf32>, vector<512x128xf32>, vector<2048x128xf32> -> vector<2048x128xf32>
    %slice3A_135 = vector.extract_strided_slice %get3A_1 {offsets = [0, 9], sizes = [2048, 1], strides = [1, 1]} : vector<2048x128xf32> to vector<2048x1xf32>
    %mul3A_136 = vector.broadcast %slice3A_135 : vector<2048x1xf32> to vector<2048x128xf32>
    %mul3A_137 = arith.mulf %mul3A_136, %dot_general3A_134 : vector<2048x128xf32>
    %add3A_138 = arith.addf %add3A_129, %mul3A_137 : vector<2048x128xf32>
    %get3A_139 = arith.constant 0 : index
    %get3A_140 = arith.constant 1280 : index
    %get3A_141 = vector.load %arg10[%get3A_139, %get3A_140] : memref<512x4736xf32, #tpu.memory_space<vmem>>, vector<512x128xf32>
    %dot_general3A_142 = arith.constant dense<0.000000e+00> : vector<2048x128xf32>
    %dot_general3A_143 = tpu.matmul %max3A_14, %get3A_141, %dot_general3A_142 {dimension_numbers = #tpu.dot_dimension_numbers<[1], [0], [0], [1], [0, 0, 1, 1], [], []>, transpose_lhs_hint = false} : vector<2048x512xf32>, vector<512x128xf32>, vector<2048x128xf32> -> vector<2048x128xf32>
    %slice3A_144 = vector.extract_strided_slice %get3A_1 {offsets = [0, 10], sizes = [2048, 1], strides = [1, 1]} : vector<2048x128xf32> to vector<2048x1xf32>
    %mul3A_145 = vector.broadcast %slice3A_144 : vector<2048x1xf32> to vector<2048x128xf32>
    %mul3A_146 = arith.mulf %mul3A_145, %dot_general3A_143 : vector<2048x128xf32>
    %add3A_147 = arith.addf %add3A_138, %mul3A_146 : vector<2048x128xf32>
    %get3A_148 = arith.constant 0 : index
    %get3A_149 = arith.constant 1408 : index
    %get3A_150 = vector.load %arg10[%get3A_148, %get3A_149] : memref<512x4736xf32, #tpu.memory_space<vmem>>, vector<512x128xf32>
    %dot_general3A_151 = arith.constant dense<0.000000e+00> : vector<2048x128xf32>
    %dot_general3A_152 = tpu.matmul %max3A_14, %get3A_150, %dot_general3A_151 {dimension_numbers = #tpu.dot_dimension_numbers<[1], [0], [0], [1], [0, 0, 1, 1], [], []>, transpose_lhs_hint = false} : vector<2048x512xf32>, vector<512x128xf32>, vector<2048x128xf32> -> vector<2048x128xf32>
    %slice3A_153 = vector.extract_strided_slice %get3A_1 {offsets = [0, 11], sizes = [2048, 1], strides = [1, 1]} : vector<2048x128xf32> to vector<2048x1xf32>
    %mul3A_154 = vector.broadcast %slice3A_153 : vector<2048x1xf32> to vector<2048x128xf32>
    %mul3A_155 = arith.mulf %mul3A_154, %dot_general3A_152 : vector<2048x128xf32>
    %add3A_156 = arith.addf %add3A_147, %mul3A_155 : vector<2048x128xf32>
    %get3A_157 = arith.constant 0 : index
    %get3A_158 = arith.constant 1536 : index
    %get3A_159 = vector.load %arg10[%get3A_157, %get3A_158] : memref<512x4736xf32, #tpu.memory_space<vmem>>, vector<512x128xf32>
    %dot_general3A_160 = arith.constant dense<0.000000e+00> : vector<2048x128xf32>
    %dot_general3A_161 = tpu.matmul %max3A_14, %get3A_159, %dot_general3A_160 {dimension_numbers = #tpu.dot_dimension_numbers<[1], [0], [0], [1], [0, 0, 1, 1], [], []>, transpose_lhs_hint = false} : vector<2048x512xf32>, vector<512x128xf32>, vector<2048x128xf32> -> vector<2048x128xf32>
    %slice3A_162 = vector.extract_strided_slice %get3A_1 {offsets = [0, 12], sizes = [2048, 1], strides = [1, 1]} : vector<2048x128xf32> to vector<2048x1xf32>
    %mul3A_163 = vector.broadcast %slice3A_162 : vector<2048x1xf32> to vector<2048x128xf32>
    %mul3A_164 = arith.mulf %mul3A_163, %dot_general3A_161 : vector<2048x128xf32>
    %add3A_165 = arith.addf %add3A_156, %mul3A_164 : vector<2048x128xf32>
    %get3A_166 = arith.constant 0 : index
    %get3A_167 = arith.constant 1664 : index
    %get3A_168 = vector.load %arg10[%get3A_166, %get3A_167] : memref<512x4736xf32, #tpu.memory_space<vmem>>, vector<512x128xf32>
    %dot_general3A_169 = arith.constant dense<0.000000e+00> : vector<2048x128xf32>
    %dot_general3A_170 = tpu.matmul %max3A_14, %get3A_168, %dot_general3A_169 {dimension_numbers = #tpu.dot_dimension_numbers<[1], [0], [0], [1], [0, 0, 1, 1], [], []>, transpose_lhs_hint = false} : vector<2048x512xf32>, vector<512x128xf32>, vector<2048x128xf32> -> vector<2048x128xf32>
    %slice3A_171 = vector.extract_strided_slice %get3A_1 {offsets = [0, 13], sizes = [2048, 1], strides = [1, 1]} : vector<2048x128xf32> to vector<2048x1xf32>
    %mul3A_172 = vector.broadcast %slice3A_171 : vector<2048x1xf32> to vector<2048x128xf32>
    %mul3A_173 = arith.mulf %mul3A_172, %dot_general3A_170 : vector<2048x128xf32>
    %add3A_174 = arith.addf %add3A_165, %mul3A_173 : vector<2048x128xf32>
    %get3A_175 = arith.constant 0 : index
    %get3A_176 = arith.constant 1792 : index
    %get3A_177 = vector.load %arg10[%get3A_175, %get3A_176] : memref<512x4736xf32, #tpu.memory_space<vmem>>, vector<512x128xf32>
    %dot_general3A_178 = arith.constant dense<0.000000e+00> : vector<2048x128xf32>
    %dot_general3A_179 = tpu.matmul %max3A_14, %get3A_177, %dot_general3A_178 {dimension_numbers = #tpu.dot_dimension_numbers<[1], [0], [0], [1], [0, 0, 1, 1], [], []>, transpose_lhs_hint = false} : vector<2048x512xf32>, vector<512x128xf32>, vector<2048x128xf32> -> vector<2048x128xf32>
    %slice3A_180 = vector.extract_strided_slice %get3A_1 {offsets = [0, 14], sizes = [2048, 1], strides = [1, 1]} : vector<2048x128xf32> to vector<2048x1xf32>
    %mul3A_181 = vector.broadcast %slice3A_180 : vector<2048x1xf32> to vector<2048x128xf32>
    %mul3A_182 = arith.mulf %mul3A_181, %dot_general3A_179 : vector<2048x128xf32>
    %add3A_183 = arith.addf %add3A_174, %mul3A_182 : vector<2048x128xf32>
    %get3A_184 = arith.constant 0 : index
    %get3A_185 = arith.constant 1920 : index
    %get3A_186 = vector.load %arg10[%get3A_184, %get3A_185] : memref<512x4736xf32, #tpu.memory_space<vmem>>, vector<512x128xf32>
    %dot_general3A_187 = arith.constant dense<0.000000e+00> : vector<2048x128xf32>
    %dot_general3A_188 = tpu.matmul %max3A_14, %get3A_186, %dot_general3A_187 {dimension_numbers = #tpu.dot_dimension_numbers<[1], [0], [0], [1], [0, 0, 1, 1], [], []>, transpose_lhs_hint = false} : vector<2048x512xf32>, vector<512x128xf32>, vector<2048x128xf32> -> vector<2048x128xf32>
    %slice3A_189 = vector.extract_strided_slice %get3A_1 {offsets = [0, 15], sizes = [2048, 1], strides = [1, 1]} : vector<2048x128xf32> to vector<2048x1xf32>
    %mul3A_190 = vector.broadcast %slice3A_189 : vector<2048x1xf32> to vector<2048x128xf32>
    %mul3A_191 = arith.mulf %mul3A_190, %dot_general3A_188 : vector<2048x128xf32>
    %add3A_192 = arith.addf %add3A_183, %mul3A_191 : vector<2048x128xf32>
    %get3A_193 = arith.constant 0 : index
    %get3A_194 = arith.constant 2048 : index
    %get3A_195 = vector.load %arg10[%get3A_193, %get3A_194] : memref<512x4736xf32, #tpu.memory_space<vmem>>, vector<512x128xf32>
    %dot_general3A_196 = arith.constant dense<0.000000e+00> : vector<2048x128xf32>
    %dot_general3A_197 = tpu.matmul %max3A_14, %get3A_195, %dot_general3A_196 {dimension_numbers = #tpu.dot_dimension_numbers<[1], [0], [0], [1], [0, 0, 1, 1], [], []>, transpose_lhs_hint = false} : vector<2048x512xf32>, vector<512x128xf32>, vector<2048x128xf32> -> vector<2048x128xf32>
    %slice3A_198 = vector.extract_strided_slice %get3A_1 {offsets = [0, 16], sizes = [2048, 1], strides = [1, 1]} : vector<2048x128xf32> to vector<2048x1xf32>
    %mul3A_199 = vector.broadcast %slice3A_198 : vector<2048x1xf32> to vector<2048x128xf32>
    %mul3A_200 = arith.mulf %mul3A_199, %dot_general3A_197 : vector<2048x128xf32>
    %add3A_201 = arith.addf %add3A_192, %mul3A_200 : vector<2048x128xf32>
    %get3A_202 = arith.constant 0 : index
    %get3A_203 = arith.constant 2176 : index
    %get3A_204 = vector.load %arg10[%get3A_202, %get3A_203] : memref<512x4736xf32, #tpu.memory_space<vmem>>, vector<512x128xf32>
    %dot_general3A_205 = arith.constant dense<0.000000e+00> : vector<2048x128xf32>
    %dot_general3A_206 = tpu.matmul %max3A_14, %get3A_204, %dot_general3A_205 {dimension_numbers = #tpu.dot_dimension_numbers<[1], [0], [0], [1], [0, 0, 1, 1], [], []>, transpose_lhs_hint = false} : vector<2048x512xf32>, vector<512x128xf32>, vector<2048x128xf32> -> vector<2048x128xf32>
    %slice3A_207 = vector.extract_strided_slice %get3A_1 {offsets = [0, 17], sizes = [2048, 1], strides = [1, 1]} : vector<2048x128xf32> to vector<2048x1xf32>
    %mul3A_208 = vector.broadcast %slice3A_207 : vector<2048x1xf32> to vector<2048x128xf32>
    %mul3A_209 = arith.mulf %mul3A_208, %dot_general3A_206 : vector<2048x128xf32>
    %add3A_210 = arith.addf %add3A_201, %mul3A_209 : vector<2048x128xf32>
    %get3A_211 = arith.constant 0 : index
    %get3A_212 = arith.constant 2304 : index
    %get3A_213 = vector.load %arg10[%get3A_211, %get3A_212] : memref<512x4736xf32, #tpu.memory_space<vmem>>, vector<512x128xf32>
    %dot_general3A_214 = arith.constant dense<0.000000e+00> : vector<2048x128xf32>
    %dot_general3A_215 = tpu.matmul %max3A_14, %get3A_213, %dot_general3A_214 {dimension_numbers = #tpu.dot_dimension_numbers<[1], [0], [0], [1], [0, 0, 1, 1], [], []>, transpose_lhs_hint = false} : vector<2048x512xf32>, vector<512x128xf32>, vector<2048x128xf32> -> vector<2048x128xf32>
    %slice3A_216 = vector.extract_strided_slice %get3A_1 {offsets = [0, 18], sizes = [2048, 1], strides = [1, 1]} : vector<2048x128xf32> to vector<2048x1xf32>
    %mul3A_217 = vector.broadcast %slice3A_216 : vector<2048x1xf32> to vector<2048x128xf32>
    %mul3A_218 = arith.mulf %mul3A_217, %dot_general3A_215 : vector<2048x128xf32>
    %add3A_219 = arith.addf %add3A_210, %mul3A_218 : vector<2048x128xf32>
    %get3A_220 = arith.constant 0 : index
    %get3A_221 = arith.constant 2432 : index
    %get3A_222 = vector.load %arg10[%get3A_220, %get3A_221] : memref<512x4736xf32, #tpu.memory_space<vmem>>, vector<512x128xf32>
    %dot_general3A_223 = arith.constant dense<0.000000e+00> : vector<2048x128xf32>
    %dot_general3A_224 = tpu.matmul %max3A_14, %get3A_222, %dot_general3A_223 {dimension_numbers = #tpu.dot_dimension_numbers<[1], [0], [0], [1], [0, 0, 1, 1], [], []>, transpose_lhs_hint = false} : vector<2048x512xf32>, vector<512x128xf32>, vector<2048x128xf32> -> vector<2048x128xf32>
    %slice3A_225 = vector.extract_strided_slice %get3A_1 {offsets = [0, 19], sizes = [2048, 1], strides = [1, 1]} : vector<2048x128xf32> to vector<2048x1xf32>
    %mul3A_226 = vector.broadcast %slice3A_225 : vector<2048x1xf32> to vector<2048x128xf32>
    %mul3A_227 = arith.mulf %mul3A_226, %dot_general3A_224 : vector<2048x128xf32>
    %add3A_228 = arith.addf %add3A_219, %mul3A_227 : vector<2048x128xf32>
    %get3A_229 = arith.constant 0 : index
    %get3A_230 = arith.constant 2560 : index
    %get3A_231 = vector.load %arg10[%get3A_229, %get3A_230] : memref<512x4736xf32, #tpu.memory_space<vmem>>, vector<512x128xf32>
    %dot_general3A_232 = arith.constant dense<0.000000e+00> : vector<2048x128xf32>
    %dot_general3A_233 = tpu.matmul %max3A_14, %get3A_231, %dot_general3A_232 {dimension_numbers = #tpu.dot_dimension_numbers<[1], [0], [0], [1], [0, 0, 1, 1], [], []>, transpose_lhs_hint = false} : vector<2048x512xf32>, vector<512x128xf32>, vector<2048x128xf32> -> vector<2048x128xf32>
    %slice3A_234 = vector.extract_strided_slice %get3A_1 {offsets = [0, 20], sizes = [2048, 1], strides = [1, 1]} : vector<2048x128xf32> to vector<2048x1xf32>
    %mul3A_235 = vector.broadcast %slice3A_234 : vector<2048x1xf32> to vector<2048x128xf32>
    %mul3A_236 = arith.mulf %mul3A_235, %dot_general3A_233 : vector<2048x128xf32>
    %add3A_237 = arith.addf %add3A_228, %mul3A_236 : vector<2048x128xf32>
    %get3A_238 = arith.constant 0 : index
    %get3A_239 = arith.constant 2688 : index
    %get3A_240 = vector.load %arg10[%get3A_238, %get3A_239] : memref<512x4736xf32, #tpu.memory_space<vmem>>, vector<512x128xf32>
    %dot_general3A_241 = arith.constant dense<0.000000e+00> : vector<2048x128xf32>
    %dot_general3A_242 = tpu.matmul %max3A_14, %get3A_240, %dot_general3A_241 {dimension_numbers = #tpu.dot_dimension_numbers<[1], [0], [0], [1], [0, 0, 1, 1], [], []>, transpose_lhs_hint = false} : vector<2048x512xf32>, vector<512x128xf32>, vector<2048x128xf32> -> vector<2048x128xf32>
    %slice3A_243 = vector.extract_strided_slice %get3A_1 {offsets = [0, 21], sizes = [2048, 1], strides = [1, 1]} : vector<2048x128xf32> to vector<2048x1xf32>
    %mul3A_244 = vector.broadcast %slice3A_243 : vector<2048x1xf32> to vector<2048x128xf32>
    %mul3A_245 = arith.mulf %mul3A_244, %dot_general3A_242 : vector<2048x128xf32>
    %add3A_246 = arith.addf %add3A_237, %mul3A_245 : vector<2048x128xf32>
    %get3A_247 = arith.constant 0 : index
    %get3A_248 = arith.constant 2816 : index
    %get3A_249 = vector.load %arg10[%get3A_247, %get3A_248] : memref<512x4736xf32, #tpu.memory_space<vmem>>, vector<512x128xf32>
    %dot_general3A_250 = arith.constant dense<0.000000e+00> : vector<2048x128xf32>
    %dot_general3A_251 = tpu.matmul %max3A_14, %get3A_249, %dot_general3A_250 {dimension_numbers = #tpu.dot_dimension_numbers<[1], [0], [0], [1], [0, 0, 1, 1], [], []>, transpose_lhs_hint = false} : vector<2048x512xf32>, vector<512x128xf32>, vector<2048x128xf32> -> vector<2048x128xf32>
    %slice3A_252 = vector.extract_strided_slice %get3A_1 {offsets = [0, 22], sizes = [2048, 1], strides = [1, 1]} : vector<2048x128xf32> to vector<2048x1xf32>
    %mul3A_253 = vector.broadcast %slice3A_252 : vector<2048x1xf32> to vector<2048x128xf32>
    %mul3A_254 = arith.mulf %mul3A_253, %dot_general3A_251 : vector<2048x128xf32>
    %add3A_255 = arith.addf %add3A_246, %mul3A_254 : vector<2048x128xf32>
    %get3A_256 = arith.constant 0 : index
    %get3A_257 = arith.constant 2944 : index
    %get3A_258 = vector.load %arg10[%get3A_256, %get3A_257] : memref<512x4736xf32, #tpu.memory_space<vmem>>, vector<512x128xf32>
    %dot_general3A_259 = arith.constant dense<0.000000e+00> : vector<2048x128xf32>
    %dot_general3A_260 = tpu.matmul %max3A_14, %get3A_258, %dot_general3A_259 {dimension_numbers = #tpu.dot_dimension_numbers<[1], [0], [0], [1], [0, 0, 1, 1], [], []>, transpose_lhs_hint = false} : vector<2048x512xf32>, vector<512x128xf32>, vector<2048x128xf32> -> vector<2048x128xf32>
    %slice3A_261 = vector.extract_strided_slice %get3A_1 {offsets = [0, 23], sizes = [2048, 1], strides = [1, 1]} : vector<2048x128xf32> to vector<2048x1xf32>
    %mul3A_262 = vector.broadcast %slice3A_261 : vector<2048x1xf32> to vector<2048x128xf32>
    %mul3A_263 = arith.mulf %mul3A_262, %dot_general3A_260 : vector<2048x128xf32>
    %add3A_264 = arith.addf %add3A_255, %mul3A_263 : vector<2048x128xf32>
    %get3A_265 = arith.constant 0 : index
    %get3A_266 = arith.constant 3072 : index
    %get3A_267 = vector.load %arg10[%get3A_265, %get3A_266] : memref<512x4736xf32, #tpu.memory_space<vmem>>, vector<512x128xf32>
    %dot_general3A_268 = arith.constant dense<0.000000e+00> : vector<2048x128xf32>
    %dot_general3A_269 = tpu.matmul %max3A_14, %get3A_267, %dot_general3A_268 {dimension_numbers = #tpu.dot_dimension_numbers<[1], [0], [0], [1], [0, 0, 1, 1], [], []>, transpose_lhs_hint = false} : vector<2048x512xf32>, vector<512x128xf32>, vector<2048x128xf32> -> vector<2048x128xf32>
    %slice3A_270 = vector.extract_strided_slice %get3A_1 {offsets = [0, 24], sizes = [2048, 1], strides = [1, 1]} : vector<2048x128xf32> to vector<2048x1xf32>
    %mul3A_271 = vector.broadcast %slice3A_270 : vector<2048x1xf32> to vector<2048x128xf32>
    %mul3A_272 = arith.mulf %mul3A_271, %dot_general3A_269 : vector<2048x128xf32>
    %add3A_273 = arith.addf %add3A_264, %mul3A_272 : vector<2048x128xf32>
    %get3A_274 = arith.constant 0 : index
    %get3A_275 = arith.constant 3200 : index
    %get3A_276 = vector.load %arg10[%get3A_274, %get3A_275] : memref<512x4736xf32, #tpu.memory_space<vmem>>, vector<512x128xf32>
    %dot_general3A_277 = arith.constant dense<0.000000e+00> : vector<2048x128xf32>
    %dot_general3A_278 = tpu.matmul %max3A_14, %get3A_276, %dot_general3A_277 {dimension_numbers = #tpu.dot_dimension_numbers<[1], [0], [0], [1], [0, 0, 1, 1], [], []>, transpose_lhs_hint = false} : vector<2048x512xf32>, vector<512x128xf32>, vector<2048x128xf32> -> vector<2048x128xf32>
    %slice3A_279 = vector.extract_strided_slice %get3A_1 {offsets = [0, 25], sizes = [2048, 1], strides = [1, 1]} : vector<2048x128xf32> to vector<2048x1xf32>
    %mul3A_280 = vector.broadcast %slice3A_279 : vector<2048x1xf32> to vector<2048x128xf32>
    %mul3A_281 = arith.mulf %mul3A_280, %dot_general3A_278 : vector<2048x128xf32>
    %add3A_282 = arith.addf %add3A_273, %mul3A_281 : vector<2048x128xf32>
    %get3A_283 = arith.constant 0 : index
    %get3A_284 = arith.constant 3328 : index
    %get3A_285 = vector.load %arg10[%get3A_283, %get3A_284] : memref<512x4736xf32, #tpu.memory_space<vmem>>, vector<512x128xf32>
    %dot_general3A_286 = arith.constant dense<0.000000e+00> : vector<2048x128xf32>
    %dot_general3A_287 = tpu.matmul %max3A_14, %get3A_285, %dot_general3A_286 {dimension_numbers = #tpu.dot_dimension_numbers<[1], [0], [0], [1], [0, 0, 1, 1], [], []>, transpose_lhs_hint = false} : vector<2048x512xf32>, vector<512x128xf32>, vector<2048x128xf32> -> vector<2048x128xf32>
    %slice3A_288 = vector.extract_strided_slice %get3A_1 {offsets = [0, 26], sizes = [2048, 1], strides = [1, 1]} : vector<2048x128xf32> to vector<2048x1xf32>
    %mul3A_289 = vector.broadcast %slice3A_288 : vector<2048x1xf32> to vector<2048x128xf32>
    %mul3A_290 = arith.mulf %mul3A_289, %dot_general3A_287 : vector<2048x128xf32>
    %add3A_291 = arith.addf %add3A_282, %mul3A_290 : vector<2048x128xf32>
    %get3A_292 = arith.constant 0 : index
    %get3A_293 = arith.constant 3456 : index
    %get3A_294 = vector.load %arg10[%get3A_292, %get3A_293] : memref<512x4736xf32, #tpu.memory_space<vmem>>, vector<512x128xf32>
    %dot_general3A_295 = arith.constant dense<0.000000e+00> : vector<2048x128xf32>
    %dot_general3A_296 = tpu.matmul %max3A_14, %get3A_294, %dot_general3A_295 {dimension_numbers = #tpu.dot_dimension_numbers<[1], [0], [0], [1], [0, 0, 1, 1], [], []>, transpose_lhs_hint = false} : vector<2048x512xf32>, vector<512x128xf32>, vector<2048x128xf32> -> vector<2048x128xf32>
    %slice3A_297 = vector.extract_strided_slice %get3A_1 {offsets = [0, 27], sizes = [2048, 1], strides = [1, 1]} : vector<2048x128xf32> to vector<2048x1xf32>
    %mul3A_298 = vector.broadcast %slice3A_297 : vector<2048x1xf32> to vector<2048x128xf32>
    %mul3A_299 = arith.mulf %mul3A_298, %dot_general3A_296 : vector<2048x128xf32>
    %add3A_300 = arith.addf %add3A_291, %mul3A_299 : vector<2048x128xf32>
    %get3A_301 = arith.constant 0 : index
    %get3A_302 = arith.constant 3584 : index
    %get3A_303 = vector.load %arg10[%get3A_301, %get3A_302] : memref<512x4736xf32, #tpu.memory_space<vmem>>, vector<512x128xf32>
    %dot_general3A_304 = arith.constant dense<0.000000e+00> : vector<2048x128xf32>
    %dot_general3A_305 = tpu.matmul %max3A_14, %get3A_303, %dot_general3A_304 {dimension_numbers = #tpu.dot_dimension_numbers<[1], [0], [0], [1], [0, 0, 1, 1], [], []>, transpose_lhs_hint = false} : vector<2048x512xf32>, vector<512x128xf32>, vector<2048x128xf32> -> vector<2048x128xf32>
    %slice3A_306 = vector.extract_strided_slice %get3A_1 {offsets = [0, 28], sizes = [2048, 1], strides = [1, 1]} : vector<2048x128xf32> to vector<2048x1xf32>
    %mul3A_307 = vector.broadcast %slice3A_306 : vector<2048x1xf32> to vector<2048x128xf32>
    %mul3A_308 = arith.mulf %mul3A_307, %dot_general3A_305 : vector<2048x128xf32>
    %add3A_309 = arith.addf %add3A_300, %mul3A_308 : vector<2048x128xf32>
    %get3A_310 = arith.constant 0 : index
    %get3A_311 = arith.constant 3712 : index
    %get3A_312 = vector.load %arg10[%get3A_310, %get3A_311] : memref<512x4736xf32, #tpu.memory_space<vmem>>, vector<512x128xf32>
    %dot_general3A_313 = arith.constant dense<0.000000e+00> : vector<2048x128xf32>
    %dot_general3A_314 = tpu.matmul %max3A_14, %get3A_312, %dot_general3A_313 {dimension_numbers = #tpu.dot_dimension_numbers<[1], [0], [0], [1], [0, 0, 1, 1], [], []>, transpose_lhs_hint = false} : vector<2048x512xf32>, vector<512x128xf32>, vector<2048x128xf32> -> vector<2048x128xf32>
    %slice3A_315 = vector.extract_strided_slice %get3A_1 {offsets = [0, 29], sizes = [2048, 1], strides = [1, 1]} : vector<2048x128xf32> to vector<2048x1xf32>
    %mul3A_316 = vector.broadcast %slice3A_315 : vector<2048x1xf32> to vector<2048x128xf32>
    %mul3A_317 = arith.mulf %mul3A_316, %dot_general3A_314 : vector<2048x128xf32>
    %add3A_318 = arith.addf %add3A_309, %mul3A_317 : vector<2048x128xf32>
    %get3A_319 = arith.constant 0 : index
    %get3A_320 = arith.constant 3840 : index
    %get3A_321 = vector.load %arg10[%get3A_319, %get3A_320] : memref<512x4736xf32, #tpu.memory_space<vmem>>, vector<512x128xf32>
    %dot_general3A_322 = arith.constant dense<0.000000e+00> : vector<2048x128xf32>
    %dot_general3A_323 = tpu.matmul %max3A_14, %get3A_321, %dot_general3A_322 {dimension_numbers = #tpu.dot_dimension_numbers<[1], [0], [0], [1], [0, 0, 1, 1], [], []>, transpose_lhs_hint = false} : vector<2048x512xf32>, vector<512x128xf32>, vector<2048x128xf32> -> vector<2048x128xf32>
    %slice3A_324 = vector.extract_strided_slice %get3A_1 {offsets = [0, 30], sizes = [2048, 1], strides = [1, 1]} : vector<2048x128xf32> to vector<2048x1xf32>
    %mul3A_325 = vector.broadcast %slice3A_324 : vector<2048x1xf32> to vector<2048x128xf32>
    %mul3A_326 = arith.mulf %mul3A_325, %dot_general3A_323 : vector<2048x128xf32>
    %add3A_327 = arith.addf %add3A_318, %mul3A_326 : vector<2048x128xf32>
    %get3A_328 = arith.constant 0 : index
    %get3A_329 = arith.constant 3968 : index
    %get3A_330 = vector.load %arg10[%get3A_328, %get3A_329] : memref<512x4736xf32, #tpu.memory_space<vmem>>, vector<512x128xf32>
    %dot_general3A_331 = arith.constant dense<0.000000e+00> : vector<2048x128xf32>
    %dot_general3A_332 = tpu.matmul %max3A_14, %get3A_330, %dot_general3A_331 {dimension_numbers = #tpu.dot_dimension_numbers<[1], [0], [0], [1], [0, 0, 1, 1], [], []>, transpose_lhs_hint = false} : vector<2048x512xf32>, vector<512x128xf32>, vector<2048x128xf32> -> vector<2048x128xf32>
    %slice3A_333 = vector.extract_strided_slice %get3A_1 {offsets = [0, 31], sizes = [2048, 1], strides = [1, 1]} : vector<2048x128xf32> to vector<2048x1xf32>
    %mul3A_334 = vector.broadcast %slice3A_333 : vector<2048x1xf32> to vector<2048x128xf32>
    %mul3A_335 = arith.mulf %mul3A_334, %dot_general3A_332 : vector<2048x128xf32>
    %add3A_336 = arith.addf %add3A_327, %mul3A_335 : vector<2048x128xf32>
    %get3A_337 = arith.constant 0 : index
    %get3A_338 = arith.constant 4096 : index
    %get3A_339 = vector.load %arg10[%get3A_337, %get3A_338] : memref<512x4736xf32, #tpu.memory_space<vmem>>, vector<512x128xf32>
    %dot_general3A_340 = arith.constant dense<0.000000e+00> : vector<2048x128xf32>
    %dot_general3A_341 = tpu.matmul %max3A_14, %get3A_339, %dot_general3A_340 {dimension_numbers = #tpu.dot_dimension_numbers<[1], [0], [0], [1], [0, 0, 1, 1], [], []>, transpose_lhs_hint = false} : vector<2048x512xf32>, vector<512x128xf32>, vector<2048x128xf32> -> vector<2048x128xf32>
    %slice3A_342 = vector.extract_strided_slice %get3A_1 {offsets = [0, 32], sizes = [2048, 1], strides = [1, 1]} : vector<2048x128xf32> to vector<2048x1xf32>
    %mul3A_343 = vector.broadcast %slice3A_342 : vector<2048x1xf32> to vector<2048x128xf32>
    %mul3A_344 = arith.mulf %mul3A_343, %dot_general3A_341 : vector<2048x128xf32>
    %add3A_345 = arith.addf %add3A_336, %mul3A_344 : vector<2048x128xf32>
    %get3A_346 = arith.constant 0 : index
    %get3A_347 = arith.constant 4224 : index
    %get3A_348 = vector.load %arg10[%get3A_346, %get3A_347] : memref<512x4736xf32, #tpu.memory_space<vmem>>, vector<512x128xf32>
    %dot_general3A_349 = arith.constant dense<0.000000e+00> : vector<2048x128xf32>
    %dot_general3A_350 = tpu.matmul %max3A_14, %get3A_348, %dot_general3A_349 {dimension_numbers = #tpu.dot_dimension_numbers<[1], [0], [0], [1], [0, 0, 1, 1], [], []>, transpose_lhs_hint = false} : vector<2048x512xf32>, vector<512x128xf32>, vector<2048x128xf32> -> vector<2048x128xf32>
    %slice3A_351 = vector.extract_strided_slice %get3A_1 {offsets = [0, 33], sizes = [2048, 1], strides = [1, 1]} : vector<2048x128xf32> to vector<2048x1xf32>
    %mul3A_352 = vector.broadcast %slice3A_351 : vector<2048x1xf32> to vector<2048x128xf32>
    %mul3A_353 = arith.mulf %mul3A_352, %dot_general3A_350 : vector<2048x128xf32>
    %add3A_354 = arith.addf %add3A_345, %mul3A_353 : vector<2048x128xf32>
    %get3A_355 = arith.constant 0 : index
    %get3A_356 = arith.constant 4352 : index
    %get3A_357 = vector.load %arg10[%get3A_355, %get3A_356] : memref<512x4736xf32, #tpu.memory_space<vmem>>, vector<512x128xf32>
    %dot_general3A_358 = arith.constant dense<0.000000e+00> : vector<2048x128xf32>
    %dot_general3A_359 = tpu.matmul %max3A_14, %get3A_357, %dot_general3A_358 {dimension_numbers = #tpu.dot_dimension_numbers<[1], [0], [0], [1], [0, 0, 1, 1], [], []>, transpose_lhs_hint = false} : vector<2048x512xf32>, vector<512x128xf32>, vector<2048x128xf32> -> vector<2048x128xf32>
    %slice3A_360 = vector.extract_strided_slice %get3A_1 {offsets = [0, 34], sizes = [2048, 1], strides = [1, 1]} : vector<2048x128xf32> to vector<2048x1xf32>
    %mul3A_361 = vector.broadcast %slice3A_360 : vector<2048x1xf32> to vector<2048x128xf32>
    %mul3A_362 = arith.mulf %mul3A_361, %dot_general3A_359 : vector<2048x128xf32>
    %add3A_363 = arith.addf %add3A_354, %mul3A_362 : vector<2048x128xf32>
    %get3A_364 = arith.constant 0 : index
    %get3A_365 = arith.constant 4480 : index
    %get3A_366 = vector.load %arg10[%get3A_364, %get3A_365] : memref<512x4736xf32, #tpu.memory_space<vmem>>, vector<512x128xf32>
    %dot_general3A_367 = arith.constant dense<0.000000e+00> : vector<2048x128xf32>
    %dot_general3A_368 = tpu.matmul %max3A_14, %get3A_366, %dot_general3A_367 {dimension_numbers = #tpu.dot_dimension_numbers<[1], [0], [0], [1], [0, 0, 1, 1], [], []>, transpose_lhs_hint = false} : vector<2048x512xf32>, vector<512x128xf32>, vector<2048x128xf32> -> vector<2048x128xf32>
    %slice3A_369 = vector.extract_strided_slice %get3A_1 {offsets = [0, 35], sizes = [2048, 1], strides = [1, 1]} : vector<2048x128xf32> to vector<2048x1xf32>
    %mul3A_370 = vector.broadcast %slice3A_369 : vector<2048x1xf32> to vector<2048x128xf32>
    %mul3A_371 = arith.mulf %mul3A_370, %dot_general3A_368 : vector<2048x128xf32>
    %add3A_372 = arith.addf %add3A_363, %mul3A_371 : vector<2048x128xf32>
    %get3A_373 = arith.constant 0 : index
    %get3A_374 = arith.constant 4608 : index
    %get3A_375 = vector.load %arg10[%get3A_373, %get3A_374] : memref<512x4736xf32, #tpu.memory_space<vmem>>, vector<512x128xf32>
    %dot_general3A_376 = arith.constant dense<0.000000e+00> : vector<2048x128xf32>
    %dot_general3A_377 = tpu.matmul %max3A_14, %get3A_375, %dot_general3A_376 {dimension_numbers = #tpu.dot_dimension_numbers<[1], [0], [0], [1], [0, 0, 1, 1], [], []>, transpose_lhs_hint = false} : vector<2048x512xf32>, vector<512x128xf32>, vector<2048x128xf32> -> vector<2048x128xf32>
    %slice3A_378 = vector.extract_strided_slice %get3A_1 {offsets = [0, 36], sizes = [2048, 1], strides = [1, 1]} : vector<2048x128xf32> to vector<2048x1xf32>
    %mul3A_379 = vector.broadcast %slice3A_378 : vector<2048x1xf32> to vector<2048x128xf32>
    %mul3A_380 = arith.mulf %mul3A_379, %dot_general3A_377 : vector<2048x128xf32>
    %add3A_381 = arith.addf %add3A_372, %mul3A_380 : vector<2048x128xf32>
    %iota3A = tpu.iota {dimensions = array<i32: 0>} : vector<1024x2048xi32>
    %get3A_382 = arith.constant 0 : index
    %get3A_383 = arith.constant 0 : index
    %get3A_384 = vector.load %arg2[%get3A_382, %get3A_383] : memref<1x2048xi32, #tpu.memory_space<vmem>>, vector<1x2048xi32>
    %eq3A = vector.broadcast %get3A_384 : vector<1x2048xi32> to vector<1024x2048xi32>
    %eq3A_385 = arith.cmpi eq, %iota3A, %eq3A : vector<1024x2048xi32>
    %convert_element_type3A = arith.extui %eq3A_385 : vector<1024x2048xi1> to vector<1024x2048xi32>
    %convert_element_type3A_386 = arith.sitofp %convert_element_type3A : vector<1024x2048xi32> to vector<1024x2048xf32>
    %dot_general3A_387 = arith.constant dense<0.000000e+00> : vector<1024x128xf32>
    %dot_general3A_388 = tpu.matmul %convert_element_type3A_386, %add3A_381, %dot_general3A_387 {dimension_numbers = #tpu.dot_dimension_numbers<[1], [0], [0], [1], [0, 0, 1, 1], [], []>, transpose_lhs_hint = false} : vector<1024x2048xf32>, vector<2048x128xf32>, vector<1024x128xf32> -> vector<1024x128xf32>
    %get3A_389 = arith.constant 0 : index
    %get3A_390 = arith.constant 0 : index
    %get3A_391 = vector.load %arg0[%get3A_389, %get3A_390] : memref<1024x37xf32, #tpu.memory_space<vmem>>, vector<1024x37xf32>
    %get3A_392 = arith.constant 0 : index
    %get3A_393 = arith.constant 0 : index
    %get3A_394 = vector.load %arg12[%get3A_392, %get3A_393] : memref<37x128xf32, #tpu.memory_space<vmem>>, vector<37x128xf32>
    %dot_general3A_395 = arith.constant dense<0.000000e+00> : vector<1024x128xf32>
    %dot_general3A_396 = tpu.matmul %get3A_391, %get3A_394, %dot_general3A_395 {dimension_numbers = #tpu.dot_dimension_numbers<[1], [0], [0], [1], [0, 0, 1, 1], [], []>, transpose_lhs_hint = false} : vector<1024x37xf32>, vector<37x128xf32>, vector<1024x128xf32> -> vector<1024x128xf32>
    %add3A_397 = arith.addf %dot_general3A_388, %dot_general3A_396 : vector<1024x128xf32>
    %get3A_398 = arith.constant 0 : index
    %get3A_399 = arith.constant 0 : index
    %get3A_400 = vector.load %arg13[%get3A_398, %get3A_399] : memref<1x128xf32, #tpu.memory_space<vmem>>, vector<1x128xf32>
    %add3A_401 = vector.broadcast %get3A_400 : vector<1x128xf32> to vector<1024x128xf32>
    %add3A_402 = arith.addf %add3A_397, %add3A_401 : vector<1024x128xf32>
    %swap3A_403 = arith.constant 0 : index
    %swap3A_404 = arith.constant 0 : index
    %swap3A_405 = vector.load %arg14[%swap3A_403, %swap3A_404] : memref<1024x128xf32, #tpu.memory_space<vmem>>, vector<1024x128xf32>
    tpu.vector_store %arg14[%swap3A_403, %swap3A_404], %add3A_402 {strides = array<i32>} : memref<1024x128xf32, #tpu.memory_space<vmem>>, vector<1024x128xf32>,
    return
  }
}

module attributes {stable_mosaic.version = 14 : i64} {
  func.func @_layer_body(%arg0: i32, %arg1: memref<1024x128xf32, #tpu.memory_space<vmem>>, %arg2: memref<2048x128xf32, #tpu.memory_space<vmem>>, %arg3: memref<1x2048xi32, #tpu.memory_space<vmem>>, %arg4: memref<1x2048x8xf32, #tpu.memory_space<vmem>>, %arg5: memref<1024x256xf32, #tpu.memory_space<vmem>>, %arg6: memref<128x256xf32, #tpu.memory_space<vmem>>, %arg7: memref<128x256xf32, #tpu.memory_space<vmem>>, %arg8: memref<1x256xf32, #tpu.memory_space<vmem>>, %arg9: memref<1024x256xf32, #tpu.memory_space<vmem>>, %arg10: memref<2048x128xf32, #tpu.memory_space<vmem>>, %arg11: memref<2048x256xf32, #tpu.memory_space<vmem>>) attributes {dimension_semantics = [#tpu.dimension_semantics<arbitrary>], iteration_bounds = array<i64: 16>, scalar_prefetch = 0 : i64, scratch_operands = 2 : i64, tpu.core_type = #tpu.core_type<tc>, window_params = [{pipeline_mode = #tpu.pipeline_mode<synchronous>, transform_indices = @transform_0, window_bounds = array<i64: 1024, 128>}, {pipeline_mode = #tpu.pipeline_mode<synchronous>, transform_indices = @transform_1, window_bounds = array<i64: 2048, 128>}, {pipeline_mode = #tpu.pipeline_mode<synchronous>, transform_indices = @transform_2, window_bounds = array<i64: 1, 2048>}, {transform_indices = @transform_3, window_bounds = array<i64: 1, 2048, 8>}, {transform_indices = @transform_4, window_bounds = array<i64: 1024, 256>}, {pipeline_mode = #tpu.pipeline_mode<synchronous>, transform_indices = @transform_5, window_bounds = array<i64: 128, 256>}, {pipeline_mode = #tpu.pipeline_mode<synchronous>, transform_indices = @transform_6, window_bounds = array<i64: 128, 256>}, {pipeline_mode = #tpu.pipeline_mode<synchronous>, transform_indices = @transform_7, window_bounds = array<i64: 1, 256>}, {pipeline_mode = #tpu.pipeline_mode<synchronous>, transform_indices = @transform_8, window_bounds = array<i64: 1024, 256>}]} {
    %eq3A = arith.constant 0 : i32
    %eq3A_0 = arith.cmpi eq, %arg0, %eq3A : i32
    %convert_element_type3A = arith.extui %eq3A_0 : i1 to i32
    %cond3A = arith.constant 0 : i32
    %cond3A_1 = arith.cmpi ne, %convert_element_type3A, %cond3A : i32
    scf.if %cond3A_1 {
      %get3A_52 = arith.constant 0 : index
      %get3A_53 = arith.constant 0 : index
      %get3A_54 = vector.load %arg2[%get3A_52, %get3A_53] : memref<2048x128xf32, #tpu.memory_space<vmem>>, vector<2048x128xf32>
      %gt3A = arith.constant 0.000000e+00 : f32
      %gt3A_55 = vector.broadcast %gt3A : f32 to vector<2048x128xf32>
      %gt3A_56 = arith.cmpf ogt, %get3A_54, %gt3A_55 : vector<2048x128xf32>
      %min3A = arith.constant 0.000000e+00 : f32
      %min3A_57 = vector.broadcast %min3A : f32 to vector<2048x128xf32>
      %min3A_58 = arith.minimumf %get3A_54, %min3A_57 : vector<2048x128xf32>
      %exp3A = math.exp %min3A_58 : vector<2048x128xf32>
      %sub3A = arith.constant 1.000000e+00 : f32
      %sub3A_59 = vector.broadcast %sub3A : f32 to vector<2048x128xf32>
      %sub3A_60 = arith.subf %exp3A, %sub3A_59 : vector<2048x128xf32>
      %select_n3A = arith.select %gt3A_56, %get3A_54, %sub3A_60 : vector<2048x128xi1>, vector<2048x128xf32>
      %swap3A_61 = arith.constant 0 : index
      %swap3A_62 = arith.constant 0 : index
      %swap3A_63 = vector.load %arg10[%swap3A_61, %swap3A_62] : memref<2048x128xf32, #tpu.memory_space<vmem>>, vector<2048x128xf32>
      tpu.vector_store %arg10[%swap3A_61, %swap3A_62], %select_n3A {strides = array<i32>} : memref<2048x128xf32, #tpu.memory_space<vmem>>, vector<2048x128xf32>,
      %get3A_64 = arith.constant 0 : index
      %get3A_65 = arith.constant 0 : index
      %get3A_66 = vector.load %arg6[%get3A_64, %get3A_65] : memref<128x256xf32, #tpu.memory_space<vmem>>, vector<128x256xf32>
      %dot_general3A_67 = arith.constant dense<0.000000e+00> : vector<2048x256xf32>
      %dot_general3A_68 = tpu.matmul %select_n3A, %get3A_66, %dot_general3A_67 {dimension_numbers = #tpu.dot_dimension_numbers<[1], [0], [0], [1], [0, 0, 1, 1], [], []>, transpose_lhs_hint = false} : vector<2048x128xf32>, vector<128x256xf32>, vector<2048x256xf32> -> vector<2048x256xf32>
      %swap3A_69 = arith.constant 0 : index
      %swap3A_70 = arith.constant 0 : index
      %swap3A_71 = vector.load %arg11[%swap3A_69, %swap3A_70] : memref<2048x256xf32, #tpu.memory_space<vmem>>, vector<2048x256xf32>
      tpu.vector_store %arg11[%swap3A_69, %swap3A_70], %dot_general3A_68 {strides = array<i32>} : memref<2048x256xf32, #tpu.memory_space<vmem>>, vector<2048x256xf32>,
    } else {
    }
    %get3A = arith.constant 0 : index
    %get3A_2 = arith.constant 0 : index
    %get3A_3 = vector.load %arg10[%get3A, %get3A_2] : memref<2048x128xf32, #tpu.memory_space<vmem>>, vector<2048x128xf32>
    %get3A_4 = arith.constant 0 : index
    %get3A_5 = arith.constant 0 : index
    %get3A_6 = arith.constant 0 : index
    %get3A_7 = vector.load %arg4[%get3A_4, %get3A_5, %get3A_6] : memref<1x2048x8xf32, #tpu.memory_space<vmem>>, vector<1x2048x8xf32>
    %get3A_8 = vector.shape_cast %get3A_7 : vector<1x2048x8xf32> to vector<2048x8xf32>
    %slice3A = vector.extract_strided_slice %get3A_8 {offsets = [0, 0], sizes = [2048, 1], strides = [1, 1]} : vector<2048x8xf32> to vector<2048x1xf32>
    %mul3A = vector.broadcast %slice3A : vector<2048x1xf32> to vector<2048x128xf32>
    %mul3A_9 = arith.mulf %mul3A, %get3A_3 : vector<2048x128xf32>
    %slice3A_10 = vector.extract_strided_slice %get3A_8 {offsets = [0, 1], sizes = [2048, 1], strides = [1, 1]} : vector<2048x8xf32> to vector<2048x1xf32>
    %mul3A_11 = vector.broadcast %slice3A_10 : vector<2048x1xf32> to vector<2048x128xf32>
    %mul3A_12 = arith.mulf %mul3A_11, %get3A_3 : vector<2048x128xf32>
    %slice3A_13 = vector.extract_strided_slice %get3A_8 {offsets = [0, 2], sizes = [2048, 1], strides = [1, 1]} : vector<2048x8xf32> to vector<2048x1xf32>
    %mul3A_14 = vector.broadcast %slice3A_13 : vector<2048x1xf32> to vector<2048x128xf32>
    %mul3A_15 = arith.mulf %mul3A_14, %get3A_3 : vector<2048x128xf32>
    %slice3A_16 = vector.extract_strided_slice %get3A_8 {offsets = [0, 3], sizes = [2048, 1], strides = [1, 1]} : vector<2048x8xf32> to vector<2048x1xf32>
    %mul3A_17 = vector.broadcast %slice3A_16 : vector<2048x1xf32> to vector<2048x128xf32>
    %mul3A_18 = arith.mulf %mul3A_17, %get3A_3 : vector<2048x128xf32>
    %concatenate3A = tpu.concatenate %mul3A_9, %mul3A_12, %mul3A_15, %mul3A_18 in 1 : vector<2048x128xf32>, vector<2048x128xf32>, vector<2048x128xf32>, vector<2048x128xf32> -> vector<2048x512xf32>
    %get3A_19 = arith.constant 0 : index
    %get3A_20 = arith.constant 0 : index
    %get3A_21 = vector.load %arg5[%get3A_19, %get3A_20] : memref<1024x256xf32, #tpu.memory_space<vmem>>, vector<512x256xf32>
    %dot_general3A = arith.constant dense<0.000000e+00> : vector<2048x256xf32>
    %dot_general3A_22 = tpu.matmul %concatenate3A, %get3A_21, %dot_general3A {dimension_numbers = #tpu.dot_dimension_numbers<[1], [0], [0], [1], [0, 0, 1, 1], [], []>, transpose_lhs_hint = false} : vector<2048x512xf32>, vector<512x256xf32>, vector<2048x256xf32> -> vector<2048x256xf32>
    %slice3A_23 = vector.extract_strided_slice %get3A_8 {offsets = [0, 4], sizes = [2048, 1], strides = [1, 1]} : vector<2048x8xf32> to vector<2048x1xf32>
    %mul3A_24 = vector.broadcast %slice3A_23 : vector<2048x1xf32> to vector<2048x128xf32>
    %mul3A_25 = arith.mulf %mul3A_24, %get3A_3 : vector<2048x128xf32>
    %slice3A_26 = vector.extract_strided_slice %get3A_8 {offsets = [0, 5], sizes = [2048, 1], strides = [1, 1]} : vector<2048x8xf32> to vector<2048x1xf32>
    %mul3A_27 = vector.broadcast %slice3A_26 : vector<2048x1xf32> to vector<2048x128xf32>
    %mul3A_28 = arith.mulf %mul3A_27, %get3A_3 : vector<2048x128xf32>
    %slice3A_29 = vector.extract_strided_slice %get3A_8 {offsets = [0, 6], sizes = [2048, 1], strides = [1, 1]} : vector<2048x8xf32> to vector<2048x1xf32>
    %mul3A_30 = vector.broadcast %slice3A_29 : vector<2048x1xf32> to vector<2048x128xf32>
    %mul3A_31 = arith.mulf %mul3A_30, %get3A_3 : vector<2048x128xf32>
    %slice3A_32 = vector.extract_strided_slice %get3A_8 {offsets = [0, 7], sizes = [2048, 1], strides = [1, 1]} : vector<2048x8xf32> to vector<2048x1xf32>
    %mul3A_33 = vector.broadcast %slice3A_32 : vector<2048x1xf32> to vector<2048x128xf32>
    %mul3A_34 = arith.mulf %mul3A_33, %get3A_3 : vector<2048x128xf32>
    %concatenate3A_35 = tpu.concatenate %mul3A_25, %mul3A_28, %mul3A_31, %mul3A_34 in 1 : vector<2048x128xf32>, vector<2048x128xf32>, vector<2048x128xf32>, vector<2048x128xf32> -> vector<2048x512xf32>
    %get3A_36 = arith.constant 512 : index
    %get3A_37 = arith.constant 0 : index
    %get3A_38 = vector.load %arg5[%get3A_36, %get3A_37] : memref<1024x256xf32, #tpu.memory_space<vmem>>, vector<512x256xf32>
    %dot_general3A_39 = arith.constant dense<0.000000e+00> : vector<2048x256xf32>
    %dot_general3A_40 = tpu.matmul %concatenate3A_35, %get3A_38, %dot_general3A_39 {dimension_numbers = #tpu.dot_dimension_numbers<[1], [0], [0], [1], [0, 0, 1, 1], [], []>, transpose_lhs_hint = false} : vector<2048x512xf32>, vector<512x256xf32>, vector<2048x256xf32> -> vector<2048x256xf32>
    %add3A = arith.addf %dot_general3A_22, %dot_general3A_40 : vector<2048x256xf32>
    %get3A_41 = arith.constant 0 : index
    %get3A_42 = arith.constant 0 : index
    %get3A_43 = vector.load %arg11[%get3A_41, %get3A_42] : memref<2048x256xf32, #tpu.memory_space<vmem>>, vector<2048x256xf32>
    %add3A_44 = arith.addf %get3A_43, %add3A : vector<2048x256xf32>
    %swap3A = arith.constant 0 : index
    %swap3A_45 = arith.constant 0 : index
    %swap3A_46 = vector.load %arg11[%swap3A, %swap3A_45] : memref<2048x256xf32, #tpu.memory_space<vmem>>, vector<2048x256xf32>
    tpu.vector_store %arg11[%swap3A, %swap3A_45], %add3A_44 {strides = array<i32>} : memref<2048x256xf32, #tpu.memory_space<vmem>>, vector<2048x256xf32>,
    %eq3A_47 = arith.constant 15 : i32
    %eq3A_48 = arith.cmpi eq, %arg0, %eq3A_47 : i32
    %convert_element_type3A_49 = arith.extui %eq3A_48 : i1 to i32
    %cond3A_50 = arith.constant 0 : i32
    %cond3A_51 = arith.cmpi ne, %convert_element_type3A_49, %cond3A_50 : i32
    scf.if %cond3A_51 {
      %iota3A = tpu.iota {dimensions = array<i32: 0>} : vector<1024x2048xi32>
      %get3A_52 = arith.constant 0 : index
      %get3A_53 = arith.constant 0 : index
      %get3A_54 = vector.load %arg3[%get3A_52, %get3A_53] : memref<1x2048xi32, #tpu.memory_space<vmem>>, vector<1x2048xi32>
      %eq3A_55 = vector.broadcast %get3A_54 : vector<1x2048xi32> to vector<1024x2048xi32>
      %eq3A_56 = arith.cmpi eq, %iota3A, %eq3A_55 : vector<1024x2048xi32>
      %convert_element_type3A_57 = arith.extui %eq3A_56 : vector<1024x2048xi1> to vector<1024x2048xi32>
      %convert_element_type3A_58 = arith.sitofp %convert_element_type3A_57 : vector<1024x2048xi32> to vector<1024x2048xf32>
      %get3A_59 = arith.constant 0 : index
      %get3A_60 = arith.constant 0 : index
      %get3A_61 = vector.load %arg11[%get3A_59, %get3A_60] : memref<2048x256xf32, #tpu.memory_space<vmem>>, vector<2048x256xf32>
      %dot_general3A_62 = arith.constant dense<0.000000e+00> : vector<1024x256xf32>
      %dot_general3A_63 = tpu.matmul %convert_element_type3A_58, %get3A_61, %dot_general3A_62 {dimension_numbers = #tpu.dot_dimension_numbers<[1], [0], [0], [1], [0, 0, 1, 1], [], []>, transpose_lhs_hint = false} : vector<1024x2048xf32>, vector<2048x256xf32>, vector<1024x256xf32> -> vector<1024x256xf32>
      %get3A_64 = arith.constant 0 : index
      %get3A_65 = arith.constant 0 : index
      %get3A_66 = vector.load %arg1[%get3A_64, %get3A_65] : memref<1024x128xf32, #tpu.memory_space<vmem>>, vector<1024x128xf32>
      %gt3A = arith.constant 0.000000e+00 : f32
      %gt3A_67 = vector.broadcast %gt3A : f32 to vector<1024x128xf32>
      %gt3A_68 = arith.cmpf ogt, %get3A_66, %gt3A_67 : vector<1024x128xf32>
      %min3A = arith.constant 0.000000e+00 : f32
      %min3A_69 = vector.broadcast %min3A : f32 to vector<1024x128xf32>
      %min3A_70 = arith.minimumf %get3A_66, %min3A_69 : vector<1024x128xf32>
      %exp3A = math.exp %min3A_70 : vector<1024x128xf32>
      %sub3A = arith.constant 1.000000e+00 : f32
      %sub3A_71 = vector.broadcast %sub3A : f32 to vector<1024x128xf32>
      %sub3A_72 = arith.subf %exp3A, %sub3A_71 : vector<1024x128xf32>
      %select_n3A = arith.select %gt3A_68, %get3A_66, %sub3A_72 : vector<1024x128xi1>, vector<1024x128xf32>
      %get3A_73 = arith.constant 0 : index
      %get3A_74 = arith.constant 0 : index
      %get3A_75 = vector.load %arg7[%get3A_73, %get3A_74] : memref<128x256xf32, #tpu.memory_space<vmem>>, vector<128x256xf32>
      %dot_general3A_76 = arith.constant dense<0.000000e+00> : vector<1024x256xf32>
      %dot_general3A_77 = tpu.matmul %select_n3A, %get3A_75, %dot_general3A_76 {dimension_numbers = #tpu.dot_dimension_numbers<[1], [0], [0], [1], [0, 0, 1, 1], [], []>, transpose_lhs_hint = false} : vector<1024x128xf32>, vector<128x256xf32>, vector<1024x256xf32> -> vector<1024x256xf32>
      %add3A_78 = arith.addf %dot_general3A_63, %dot_general3A_77 : vector<1024x256xf32>
      %get3A_79 = arith.constant 0 : index
      %get3A_80 = arith.constant 0 : index
      %get3A_81 = vector.load %arg8[%get3A_79, %get3A_80] : memref<1x256xf32, #tpu.memory_space<vmem>>, vector<1x256xf32>
      %add3A_82 = vector.broadcast %get3A_81 : vector<1x256xf32> to vector<1024x256xf32>
      %add3A_83 = arith.addf %add3A_78, %add3A_82 : vector<1024x256xf32>
      %swap3A_84 = arith.constant 0 : index
      %swap3A_85 = arith.constant 0 : index
      %swap3A_86 = vector.load %arg9[%swap3A_84, %swap3A_85] : memref<1024x256xf32, #tpu.memory_space<vmem>>, vector<1024x256xf32>
      tpu.vector_store %arg9[%swap3A_84, %swap3A_85], %add3A_83 {strides = array<i32>} : memref<1024x256xf32, #tpu.memory_space<vmem>>, vector<1024x256xf32>,
    } else {
    }
    return
  }
  func.func @transform_0(%arg0: i32) -> (i32, i32) {
    %c0_i32 = arith.constant 0 : i32
    %c0_i32_0 = arith.constant 0 : i32
    %c0_i32_1 = arith.constant 0 : i32
    return %c0_i32, %c0_i32_0 : i32, i32
  }
  func.func @transform_1(%arg0: i32) -> (i32, i32) {
    %c0_i32 = arith.constant 0 : i32
    %c0_i32_0 = arith.constant 0 : i32
    %c0_i32_1 = arith.constant 0 : i32
    return %c0_i32, %c0_i32_0 : i32, i32
  }
  func.func @transform_2(%arg0: i32) -> (i32, i32) {
    %c0_i32 = arith.constant 0 : i32
    %c0_i32_0 = arith.constant 0 : i32
    %c0_i32_1 = arith.constant 0 : i32
    return %c0_i32, %c0_i32_0 : i32, i32
  }
  func.func @transform_3(%arg0: i32) -> (i32, i32, i32) {
    %c0_i32 = arith.constant 0 : i32
    %c0_i32_0 = arith.constant 0 : i32
    %c0_i32_1 = arith.constant 0 : i32
    return %arg0, %c0_i32, %c0_i32_0 : i32, i32, i32
  }
  func.func @transform_4(%arg0: i32) -> (i32, i32) {
    %c0_i32 = arith.constant 0 : i32
    %c0_i32_0 = arith.constant 0 : i32
    return %arg0, %c0_i32 : i32, i32
  }
  func.func @transform_5(%arg0: i32) -> (i32, i32) {
    %c0_i32 = arith.constant 0 : i32
    %c0_i32_0 = arith.constant 0 : i32
    %c0_i32_1 = arith.constant 0 : i32
    return %c0_i32, %c0_i32_0 : i32, i32
  }
  func.func @transform_6(%arg0: i32) -> (i32, i32) {
    %c0_i32 = arith.constant 0 : i32
    %c0_i32_0 = arith.constant 0 : i32
    %c0_i32_1 = arith.constant 0 : i32
    return %c0_i32, %c0_i32_0 : i32, i32
  }
  func.func @transform_7(%arg0: i32) -> (i32, i32) {
    %c0_i32 = arith.constant 0 : i32
    %c0_i32_0 = arith.constant 0 : i32
    %c0_i32_1 = arith.constant 0 : i32
    return %c0_i32, %c0_i32_0 : i32, i32
  }
  func.func @transform_8(%arg0: i32) -> (i32, i32) {
    %c0_i32 = arith.constant 0 : i32
    %c0_i32_0 = arith.constant 0 : i32
    %c0_i32_1 = arith.constant 0 : i32
    return %c0_i32, %c0_i32_0 : i32, i32
  }
}

module attributes {stable_mosaic.version = 14 : i64} {
  func.func @_layer_body(%arg0: i32, %arg1: memref<1024x256xf32, #tpu.memory_space<vmem>>, %arg2: memref<2048x256xf32, #tpu.memory_space<vmem>>, %arg3: memref<1x2048xi32, #tpu.memory_space<vmem>>, %arg4: memref<1x2048x8xf32, #tpu.memory_space<vmem>>, %arg5: memref<2048x256xf32, #tpu.memory_space<vmem>>, %arg6: memref<256x256xf32, #tpu.memory_space<vmem>>, %arg7: memref<256x256xf32, #tpu.memory_space<vmem>>, %arg8: memref<1x256xf32, #tpu.memory_space<vmem>>, %arg9: memref<1x1024xi32, #tpu.memory_space<vmem>>, %arg10: memref<256x128xf32, #tpu.memory_space<vmem>>, %arg11: memref<1x128xf32, #tpu.memory_space<vmem>>, %arg12: memref<128x64xf32, #tpu.memory_space<vmem>>, %arg13: memref<1x64xf32, #tpu.memory_space<vmem>>, %arg14: memref<64x128xf32, #tpu.memory_space<vmem>>, %arg15: memref<1x128xf32, #tpu.memory_space<vmem>>, %arg16: memref<64x128xf32, #tpu.memory_space<vmem>>, %arg17: memref<2048x256xf32, #tpu.memory_space<vmem>>, %arg18: memref<2048x256xf32, #tpu.memory_space<vmem>>) attributes {dimension_semantics = [#tpu.dimension_semantics<arbitrary>], iteration_bounds = array<i64: 16>, scalar_prefetch = 0 : i64, scratch_operands = 2 : i64, tpu.core_type = #tpu.core_type<tc>, window_params = [{pipeline_mode = #tpu.pipeline_mode<synchronous>, transform_indices = @transform_0, window_bounds = array<i64: 1024, 256>}, {pipeline_mode = #tpu.pipeline_mode<synchronous>, transform_indices = @transform_1, window_bounds = array<i64: 2048, 256>}, {pipeline_mode = #tpu.pipeline_mode<synchronous>, transform_indices = @transform_2, window_bounds = array<i64: 1, 2048>}, {transform_indices = @transform_3, window_bounds = array<i64: 1, 2048, 8>}, {transform_indices = @transform_4, window_bounds = array<i64: 2048, 256>}, {pipeline_mode = #tpu.pipeline_mode<synchronous>, transform_indices = @transform_5, window_bounds = array<i64: 256, 256>}, {pipeline_mode = #tpu.pipeline_mode<synchronous>, transform_indices = @transform_6, window_bounds = array<i64: 256, 256>}, {pipeline_mode = #tpu.pipeline_mode<synchronous>, transform_indices = @transform_7, window_bounds = array<i64: 1, 256>}, {pipeline_mode = #tpu.pipeline_mode<synchronous>, transform_indices = @transform_8, window_bounds = array<i64: 1, 1024>}, {pipeline_mode = #tpu.pipeline_mode<synchronous>, transform_indices = @transform_9, window_bounds = array<i64: 256, 128>}, {pipeline_mode = #tpu.pipeline_mode<synchronous>, transform_indices = @transform_10, window_bounds = array<i64: 1, 128>}, {pipeline_mode = #tpu.pipeline_mode<synchronous>, transform_indices = @transform_11, window_bounds = array<i64: 128, 64>}, {pipeline_mode = #tpu.pipeline_mode<synchronous>, transform_indices = @transform_12, window_bounds = array<i64: 1, 64>}, {pipeline_mode = #tpu.pipeline_mode<synchronous>, transform_indices = @transform_13, window_bounds = array<i64: 64, 128>}, {pipeline_mode = #tpu.pipeline_mode<synchronous>, transform_indices = @transform_14, window_bounds = array<i64: 1, 128>}, {pipeline_mode = #tpu.pipeline_mode<synchronous>, transform_indices = @transform_15, window_bounds = array<i64: 64, 128>}]} {
    %eq3A = arith.constant 0 : i32
    %eq3A_0 = arith.cmpi eq, %arg0, %eq3A : i32
    %convert_element_type3A = arith.extui %eq3A_0 : i1 to i32
    %cond3A = arith.constant 0 : i32
    %cond3A_1 = arith.cmpi ne, %convert_element_type3A, %cond3A : i32
    scf.if %cond3A_1 {
      %get3A_66 = arith.constant 0 : index
      %get3A_67 = arith.constant 0 : index
      %get3A_68 = vector.load %arg2[%get3A_66, %get3A_67] : memref<2048x256xf32, #tpu.memory_space<vmem>>, vector<2048x256xf32>
      %gt3A = arith.constant 0.000000e+00 : f32
      %gt3A_69 = vector.broadcast %gt3A : f32 to vector<2048x256xf32>
      %gt3A_70 = arith.cmpf ogt, %get3A_68, %gt3A_69 : vector<2048x256xf32>
      %min3A = arith.constant 0.000000e+00 : f32
      %min3A_71 = vector.broadcast %min3A : f32 to vector<2048x256xf32>
      %min3A_72 = arith.minimumf %get3A_68, %min3A_71 : vector<2048x256xf32>
      %exp3A = math.exp %min3A_72 : vector<2048x256xf32>
      %sub3A = arith.constant 1.000000e+00 : f32
      %sub3A_73 = vector.broadcast %sub3A : f32 to vector<2048x256xf32>
      %sub3A_74 = arith.subf %exp3A, %sub3A_73 : vector<2048x256xf32>
      %select_n3A = arith.select %gt3A_70, %get3A_68, %sub3A_74 : vector<2048x256xi1>, vector<2048x256xf32>
      %swap3A_75 = arith.constant 0 : index
      %swap3A_76 = arith.constant 0 : index
      %swap3A_77 = vector.load %arg17[%swap3A_75, %swap3A_76] : memref<2048x256xf32, #tpu.memory_space<vmem>>, vector<2048x256xf32>
      tpu.vector_store %arg17[%swap3A_75, %swap3A_76], %select_n3A {strides = array<i32>} : memref<2048x256xf32, #tpu.memory_space<vmem>>, vector<2048x256xf32>,
      %get3A_78 = arith.constant 0 : index
      %get3A_79 = arith.constant 0 : index
      %get3A_80 = vector.load %arg6[%get3A_78, %get3A_79] : memref<256x256xf32, #tpu.memory_space<vmem>>, vector<256x256xf32>
      %dot_general3A_81 = arith.constant dense<0.000000e+00> : vector<2048x256xf32>
      %dot_general3A_82 = tpu.matmul %select_n3A, %get3A_80, %dot_general3A_81 {dimension_numbers = #tpu.dot_dimension_numbers<[1], [0], [0], [1], [0, 0, 1, 1], [], []>, transpose_lhs_hint = false} : vector<2048x256xf32>, vector<256x256xf32>, vector<2048x256xf32> -> vector<2048x256xf32>
      %swap3A_83 = arith.constant 0 : index
      %swap3A_84 = arith.constant 0 : index
      %swap3A_85 = vector.load %arg18[%swap3A_83, %swap3A_84] : memref<2048x256xf32, #tpu.memory_space<vmem>>, vector<2048x256xf32>
      tpu.vector_store %arg18[%swap3A_83, %swap3A_84], %dot_general3A_82 {strides = array<i32>} : memref<2048x256xf32, #tpu.memory_space<vmem>>, vector<2048x256xf32>,
    } else {
    }
    %get3A = arith.constant 0 : index
    %get3A_2 = arith.constant 0 : index
    %get3A_3 = vector.load %arg17[%get3A, %get3A_2] : memref<2048x256xf32, #tpu.memory_space<vmem>>, vector<2048x256xf32>
    %get3A_4 = arith.constant 0 : index
    %get3A_5 = arith.constant 0 : index
    %get3A_6 = arith.constant 0 : index
    %get3A_7 = vector.load %arg4[%get3A_4, %get3A_5, %get3A_6] : memref<1x2048x8xf32, #tpu.memory_space<vmem>>, vector<1x2048x8xf32>
    %get3A_8 = vector.shape_cast %get3A_7 : vector<1x2048x8xf32> to vector<2048x8xf32>
    %slice3A = vector.extract_strided_slice %get3A_8 {offsets = [0, 0], sizes = [2048, 1], strides = [1, 1]} : vector<2048x8xf32> to vector<2048x1xf32>
    %mul3A = vector.broadcast %slice3A : vector<2048x1xf32> to vector<2048x256xf32>
    %mul3A_9 = arith.mulf %mul3A, %get3A_3 : vector<2048x256xf32>
    %slice3A_10 = vector.extract_strided_slice %get3A_8 {offsets = [0, 1], sizes = [2048, 1], strides = [1, 1]} : vector<2048x8xf32> to vector<2048x1xf32>
    %mul3A_11 = vector.broadcast %slice3A_10 : vector<2048x1xf32> to vector<2048x256xf32>
    %mul3A_12 = arith.mulf %mul3A_11, %get3A_3 : vector<2048x256xf32>
    %concatenate3A = tpu.concatenate %mul3A_9, %mul3A_12 in 1 : vector<2048x256xf32>, vector<2048x256xf32> -> vector<2048x512xf32>
    %get3A_13 = arith.constant 0 : index
    %get3A_14 = arith.constant 0 : index
    %get3A_15 = vector.load %arg5[%get3A_13, %get3A_14] : memref<2048x256xf32, #tpu.memory_space<vmem>>, vector<512x256xf32>
    %dot_general3A = arith.constant dense<0.000000e+00> : vector<2048x256xf32>
    %dot_general3A_16 = tpu.matmul %concatenate3A, %get3A_15, %dot_general3A {dimension_numbers = #tpu.dot_dimension_numbers<[1], [0], [0], [1], [0, 0, 1, 1], [], []>, transpose_lhs_hint = false} : vector<2048x512xf32>, vector<512x256xf32>, vector<2048x256xf32> -> vector<2048x256xf32>
    %slice3A_17 = vector.extract_strided_slice %get3A_8 {offsets = [0, 2], sizes = [2048, 1], strides = [1, 1]} : vector<2048x8xf32> to vector<2048x1xf32>
    %mul3A_18 = vector.broadcast %slice3A_17 : vector<2048x1xf32> to vector<2048x256xf32>
    %mul3A_19 = arith.mulf %mul3A_18, %get3A_3 : vector<2048x256xf32>
    %slice3A_20 = vector.extract_strided_slice %get3A_8 {offsets = [0, 3], sizes = [2048, 1], strides = [1, 1]} : vector<2048x8xf32> to vector<2048x1xf32>
    %mul3A_21 = vector.broadcast %slice3A_20 : vector<2048x1xf32> to vector<2048x256xf32>
    %mul3A_22 = arith.mulf %mul3A_21, %get3A_3 : vector<2048x256xf32>
    %concatenate3A_23 = tpu.concatenate %mul3A_19, %mul3A_22 in 1 : vector<2048x256xf32>, vector<2048x256xf32> -> vector<2048x512xf32>
    %get3A_24 = arith.constant 512 : index
    %get3A_25 = arith.constant 0 : index
    %get3A_26 = vector.load %arg5[%get3A_24, %get3A_25] : memref<2048x256xf32, #tpu.memory_space<vmem>>, vector<512x256xf32>
    %dot_general3A_27 = arith.constant dense<0.000000e+00> : vector<2048x256xf32>
    %dot_general3A_28 = tpu.matmul %concatenate3A_23, %get3A_26, %dot_general3A_27 {dimension_numbers = #tpu.dot_dimension_numbers<[1], [0], [0], [1], [0, 0, 1, 1], [], []>, transpose_lhs_hint = false} : vector<2048x512xf32>, vector<512x256xf32>, vector<2048x256xf32> -> vector<2048x256xf32>
    %slice3A_29 = vector.extract_strided_slice %get3A_8 {offsets = [0, 4], sizes = [2048, 1], strides = [1, 1]} : vector<2048x8xf32> to vector<2048x1xf32>
    %mul3A_30 = vector.broadcast %slice3A_29 : vector<2048x1xf32> to vector<2048x256xf32>
    %mul3A_31 = arith.mulf %mul3A_30, %get3A_3 : vector<2048x256xf32>
    %slice3A_32 = vector.extract_strided_slice %get3A_8 {offsets = [0, 5], sizes = [2048, 1], strides = [1, 1]} : vector<2048x8xf32> to vector<2048x1xf32>
    %mul3A_33 = vector.broadcast %slice3A_32 : vector<2048x1xf32> to vector<2048x256xf32>
    %mul3A_34 = arith.mulf %mul3A_33, %get3A_3 : vector<2048x256xf32>
    %concatenate3A_35 = tpu.concatenate %mul3A_31, %mul3A_34 in 1 : vector<2048x256xf32>, vector<2048x256xf32> -> vector<2048x512xf32>
    %get3A_36 = arith.constant 1024 : index
    %get3A_37 = arith.constant 0 : index
    %get3A_38 = vector.load %arg5[%get3A_36, %get3A_37] : memref<2048x256xf32, #tpu.memory_space<vmem>>, vector<512x256xf32>
    %dot_general3A_39 = arith.constant dense<0.000000e+00> : vector<2048x256xf32>
    %dot_general3A_40 = tpu.matmul %concatenate3A_35, %get3A_38, %dot_general3A_39 {dimension_numbers = #tpu.dot_dimension_numbers<[1], [0], [0], [1], [0, 0, 1, 1], [], []>, transpose_lhs_hint = false} : vector<2048x512xf32>, vector<512x256xf32>, vector<2048x256xf32> -> vector<2048x256xf32>
    %slice3A_41 = vector.extract_strided_slice %get3A_8 {offsets = [0, 6], sizes = [2048, 1], strides = [1, 1]} : vector<2048x8xf32> to vector<2048x1xf32>
    %mul3A_42 = vector.broadcast %slice3A_41 : vector<2048x1xf32> to vector<2048x256xf32>
    %mul3A_43 = arith.mulf %mul3A_42, %get3A_3 : vector<2048x256xf32>
    %slice3A_44 = vector.extract_strided_slice %get3A_8 {offsets = [0, 7], sizes = [2048, 1], strides = [1, 1]} : vector<2048x8xf32> to vector<2048x1xf32>
    %mul3A_45 = vector.broadcast %slice3A_44 : vector<2048x1xf32> to vector<2048x256xf32>
    %mul3A_46 = arith.mulf %mul3A_45, %get3A_3 : vector<2048x256xf32>
    %concatenate3A_47 = tpu.concatenate %mul3A_43, %mul3A_46 in 1 : vector<2048x256xf32>, vector<2048x256xf32> -> vector<2048x512xf32>
    %get3A_48 = arith.constant 1536 : index
    %get3A_49 = arith.constant 0 : index
    %get3A_50 = vector.load %arg5[%get3A_48, %get3A_49] : memref<2048x256xf32, #tpu.memory_space<vmem>>, vector<512x256xf32>
    %dot_general3A_51 = arith.constant dense<0.000000e+00> : vector<2048x256xf32>
    %dot_general3A_52 = tpu.matmul %concatenate3A_47, %get3A_50, %dot_general3A_51 {dimension_numbers = #tpu.dot_dimension_numbers<[1], [0], [0], [1], [0, 0, 1, 1], [], []>, transpose_lhs_hint = false} : vector<2048x512xf32>, vector<512x256xf32>, vector<2048x256xf32> -> vector<2048x256xf32>
    %add3A = arith.addf %dot_general3A_16, %dot_general3A_28 : vector<2048x256xf32>
    %add3A_53 = arith.addf %dot_general3A_40, %dot_general3A_52 : vector<2048x256xf32>
    %add3A_54 = arith.addf %add3A, %add3A_53 : vector<2048x256xf32>
    %get3A_55 = arith.constant 0 : index
    %get3A_56 = arith.constant 0 : index
    %get3A_57 = vector.load %arg18[%get3A_55, %get3A_56] : memref<2048x256xf32, #tpu.memory_space<vmem>>, vector<2048x256xf32>
    %add3A_58 = arith.addf %get3A_57, %add3A_54 : vector<2048x256xf32>
    %swap3A = arith.constant 0 : index
    %swap3A_59 = arith.constant 0 : index
    %swap3A_60 = vector.load %arg18[%swap3A, %swap3A_59] : memref<2048x256xf32, #tpu.memory_space<vmem>>, vector<2048x256xf32>
    tpu.vector_store %arg18[%swap3A, %swap3A_59], %add3A_58 {strides = array<i32>} : memref<2048x256xf32, #tpu.memory_space<vmem>>, vector<2048x256xf32>,
    %eq3A_61 = arith.constant 15 : i32
    %eq3A_62 = arith.cmpi eq, %arg0, %eq3A_61 : i32
    %convert_element_type3A_63 = arith.extui %eq3A_62 : i1 to i32
    %cond3A_64 = arith.constant 0 : i32
    %cond3A_65 = arith.cmpi ne, %convert_element_type3A_63, %cond3A_64 : i32
    scf.if %cond3A_65 {
      %iota3A = tpu.iota {dimensions = array<i32: 0>} : vector<1024x2048xi32>
      %get3A_66 = arith.constant 0 : index
      %get3A_67 = arith.constant 0 : index
      %get3A_68 = vector.load %arg3[%get3A_66, %get3A_67] : memref<1x2048xi32, #tpu.memory_space<vmem>>, vector<1x2048xi32>
      %eq3A_69 = vector.broadcast %get3A_68 : vector<1x2048xi32> to vector<1024x2048xi32>
      %eq3A_70 = arith.cmpi eq, %iota3A, %eq3A_69 : vector<1024x2048xi32>
      %convert_element_type3A_71 = arith.extui %eq3A_70 : vector<1024x2048xi1> to vector<1024x2048xi32>
      %convert_element_type3A_72 = arith.sitofp %convert_element_type3A_71 : vector<1024x2048xi32> to vector<1024x2048xf32>
      %get3A_73 = arith.constant 0 : index
      %get3A_74 = arith.constant 0 : index
      %get3A_75 = vector.load %arg18[%get3A_73, %get3A_74] : memref<2048x256xf32, #tpu.memory_space<vmem>>, vector<2048x256xf32>
      %dot_general3A_76 = arith.constant dense<0.000000e+00> : vector<1024x256xf32>
      %dot_general3A_77 = tpu.matmul %convert_element_type3A_72, %get3A_75, %dot_general3A_76 {dimension_numbers = #tpu.dot_dimension_numbers<[1], [0], [0], [1], [0, 0, 1, 1], [], []>, transpose_lhs_hint = false} : vector<1024x2048xf32>, vector<2048x256xf32>, vector<1024x256xf32> -> vector<1024x256xf32>
      %get3A_78 = arith.constant 0 : index
      %get3A_79 = arith.constant 0 : index
      %get3A_80 = vector.load %arg1[%get3A_78, %get3A_79] : memref<1024x256xf32, #tpu.memory_space<vmem>>, vector<1024x256xf32>
      %gt3A = arith.constant 0.000000e+00 : f32
      %gt3A_81 = vector.broadcast %gt3A : f32 to vector<1024x256xf32>
      %gt3A_82 = arith.cmpf ogt, %get3A_80, %gt3A_81 : vector<1024x256xf32>
      %min3A = arith.constant 0.000000e+00 : f32
      %min3A_83 = vector.broadcast %min3A : f32 to vector<1024x256xf32>
      %min3A_84 = arith.minimumf %get3A_80, %min3A_83 : vector<1024x256xf32>
      %exp3A = math.exp %min3A_84 : vector<1024x256xf32>
      %sub3A = arith.constant 1.000000e+00 : f32
      %sub3A_85 = vector.broadcast %sub3A : f32 to vector<1024x256xf32>
      %sub3A_86 = arith.subf %exp3A, %sub3A_85 : vector<1024x256xf32>
      %select_n3A = arith.select %gt3A_82, %get3A_80, %sub3A_86 : vector<1024x256xi1>, vector<1024x256xf32>
      %get3A_87 = arith.constant 0 : index
      %get3A_88 = arith.constant 0 : index
      %get3A_89 = vector.load %arg7[%get3A_87, %get3A_88] : memref<256x256xf32, #tpu.memory_space<vmem>>, vector<256x256xf32>
      %dot_general3A_90 = arith.constant dense<0.000000e+00> : vector<1024x256xf32>
      %dot_general3A_91 = tpu.matmul %select_n3A, %get3A_89, %dot_general3A_90 {dimension_numbers = #tpu.dot_dimension_numbers<[1], [0], [0], [1], [0, 0, 1, 1], [], []>, transpose_lhs_hint = false} : vector<1024x256xf32>, vector<256x256xf32>, vector<1024x256xf32> -> vector<1024x256xf32>
      %add3A_92 = arith.addf %dot_general3A_77, %dot_general3A_91 : vector<1024x256xf32>
      %get3A_93 = arith.constant 0 : index
      %get3A_94 = arith.constant 0 : index
      %get3A_95 = vector.load %arg8[%get3A_93, %get3A_94] : memref<1x256xf32, #tpu.memory_space<vmem>>, vector<1x256xf32>
      %add3A_96 = vector.broadcast %get3A_95 : vector<1x256xf32> to vector<1024x256xf32>
      %add3A_97 = arith.addf %add3A_92, %add3A_96 : vector<1024x256xf32>
      %gt3A_98 = arith.constant 0.000000e+00 : f32
      %gt3A_99 = vector.broadcast %gt3A_98 : f32 to vector<1024x256xf32>
      %gt3A_100 = arith.cmpf ogt, %add3A_97, %gt3A_99 : vector<1024x256xf32>
      %min3A_101 = arith.constant 0.000000e+00 : f32
      %min3A_102 = vector.broadcast %min3A_101 : f32 to vector<1024x256xf32>
      %min3A_103 = arith.minimumf %add3A_97, %min3A_102 : vector<1024x256xf32>
      %exp3A_104 = math.exp %min3A_103 : vector<1024x256xf32>
      %sub3A_105 = arith.constant 1.000000e+00 : f32
      %sub3A_106 = vector.broadcast %sub3A_105 : f32 to vector<1024x256xf32>
      %sub3A_107 = arith.subf %exp3A_104, %sub3A_106 : vector<1024x256xf32>
      %select_n3A_108 = arith.select %gt3A_100, %add3A_97, %sub3A_107 : vector<1024x256xi1>, vector<1024x256xf32>
      %iota3A_109 = tpu.iota {dimensions = array<i32: 0>} : vector<64x1024xi32>
      %get3A_110 = arith.constant 0 : index
      %get3A_111 = arith.constant 0 : index
      %get3A_112 = vector.load %arg9[%get3A_110, %get3A_111] : memref<1x1024xi32, #tpu.memory_space<vmem>>, vector<1x1024xi32>
      %eq3A_113 = vector.broadcast %get3A_112 : vector<1x1024xi32> to vector<64x1024xi32>
      %eq3A_114 = arith.cmpi eq, %iota3A_109, %eq3A_113 : vector<64x1024xi32>
      %convert_element_type3A_115 = arith.extui %eq3A_114 : vector<64x1024xi1> to vector<64x1024xi32>
      %convert_element_type3A_116 = arith.sitofp %convert_element_type3A_115 : vector<64x1024xi32> to vector<64x1024xf32>
      %dot_general3A_117 = arith.constant dense<0.000000e+00> : vector<64x256xf32>
      %dot_general3A_118 = tpu.matmul %convert_element_type3A_116, %select_n3A_108, %dot_general3A_117 {dimension_numbers = #tpu.dot_dimension_numbers<[1], [0], [0], [1], [0, 0, 1, 1], [], []>, transpose_lhs_hint = false} : vector<64x1024xf32>, vector<1024x256xf32>, vector<64x256xf32> -> vector<64x256xf32>
      %reduce_sum3A = arith.constant dense<0.000000e+00> : vector<64xf32>
      %reduce_sum3A_119 = vector.multi_reduction <add>, %convert_element_type3A_116, %reduce_sum3A [1] : vector<64x1024xf32> to vector<64xf32>
      %broadcast_in_dim3A = vector.shape_cast %reduce_sum3A_119 : vector<64xf32> to vector<64x1xf32>
      %max3A = arith.constant 1.000000e+00 : f32
      %max3A_120 = vector.broadcast %max3A : f32 to vector<64x1xf32>
      %max3A_121 = arith.maximumf %broadcast_in_dim3A, %max3A_120 : vector<64x1xf32>
      %div3A = vector.broadcast %max3A_121 : vector<64x1xf32> to vector<64x256xf32>
      %div3A_122 = arith.divf %dot_general3A_118, %div3A : vector<64x256xf32>
      %get3A_123 = arith.constant 0 : index
      %get3A_124 = arith.constant 0 : index
      %get3A_125 = vector.load %arg10[%get3A_123, %get3A_124] : memref<256x128xf32, #tpu.memory_space<vmem>>, vector<256x128xf32>
      %dot_general3A_126 = arith.constant dense<0.000000e+00> : vector<64x128xf32>
      %dot_general3A_127 = tpu.matmul %div3A_122, %get3A_125, %dot_general3A_126 {dimension_numbers = #tpu.dot_dimension_numbers<[1], [0], [0], [1], [0, 0, 1, 1], [], []>, transpose_lhs_hint = false} : vector<64x256xf32>, vector<256x128xf32>, vector<64x128xf32> -> vector<64x128xf32>
      %get3A_128 = arith.constant 0 : index
      %get3A_129 = arith.constant 0 : index
      %get3A_130 = vector.load %arg11[%get3A_128, %get3A_129] : memref<1x128xf32, #tpu.memory_space<vmem>>, vector<1x128xf32>
      %add3A_131 = vector.broadcast %get3A_130 : vector<1x128xf32> to vector<64x128xf32>
      %add3A_132 = arith.addf %dot_general3A_127, %add3A_131 : vector<64x128xf32>
      %gt3A_133 = arith.constant 0.000000e+00 : f32
      %gt3A_134 = vector.broadcast %gt3A_133 : f32 to vector<64x128xf32>
      %gt3A_135 = arith.cmpf ogt, %add3A_132, %gt3A_134 : vector<64x128xf32>
      %min3A_136 = arith.constant 0.000000e+00 : f32
      %min3A_137 = vector.broadcast %min3A_136 : f32 to vector<64x128xf32>
      %min3A_138 = arith.minimumf %add3A_132, %min3A_137 : vector<64x128xf32>
      %exp3A_139 = math.exp %min3A_138 : vector<64x128xf32>
      %sub3A_140 = arith.constant 1.000000e+00 : f32
      %sub3A_141 = vector.broadcast %sub3A_140 : f32 to vector<64x128xf32>
      %sub3A_142 = arith.subf %exp3A_139, %sub3A_141 : vector<64x128xf32>
      %select_n3A_143 = arith.select %gt3A_135, %add3A_132, %sub3A_142 : vector<64x128xi1>, vector<64x128xf32>
      %get3A_144 = arith.constant 0 : index
      %get3A_145 = arith.constant 0 : index
      %get3A_146 = vector.load %arg12[%get3A_144, %get3A_145] : memref<128x64xf32, #tpu.memory_space<vmem>>, vector<128x64xf32>
      %dot_general3A_147 = arith.constant dense<0.000000e+00> : vector<64x64xf32>
      %dot_general3A_148 = tpu.matmul %select_n3A_143, %get3A_146, %dot_general3A_147 {dimension_numbers = #tpu.dot_dimension_numbers<[1], [0], [0], [1], [0, 0, 1, 1], [], []>, transpose_lhs_hint = false} : vector<64x128xf32>, vector<128x64xf32>, vector<64x64xf32> -> vector<64x64xf32>
      %get3A_149 = arith.constant 0 : index
      %get3A_150 = arith.constant 0 : index
      %get3A_151 = vector.load %arg13[%get3A_149, %get3A_150] : memref<1x64xf32, #tpu.memory_space<vmem>>, vector<1x64xf32>
      %add3A_152 = vector.broadcast %get3A_151 : vector<1x64xf32> to vector<64x64xf32>
      %add3A_153 = arith.addf %dot_general3A_148, %add3A_152 : vector<64x64xf32>
      %gt3A_154 = arith.constant 0.000000e+00 : f32
      %gt3A_155 = vector.broadcast %gt3A_154 : f32 to vector<64x64xf32>
      %gt3A_156 = arith.cmpf ogt, %add3A_153, %gt3A_155 : vector<64x64xf32>
      %min3A_157 = arith.constant 0.000000e+00 : f32
      %min3A_158 = vector.broadcast %min3A_157 : f32 to vector<64x64xf32>
      %min3A_159 = arith.minimumf %add3A_153, %min3A_158 : vector<64x64xf32>
      %exp3A_160 = math.exp %min3A_159 : vector<64x64xf32>
      %sub3A_161 = arith.constant 1.000000e+00 : f32
      %sub3A_162 = vector.broadcast %sub3A_161 : f32 to vector<64x64xf32>
      %sub3A_163 = arith.subf %exp3A_160, %sub3A_162 : vector<64x64xf32>
      %select_n3A_164 = arith.select %gt3A_156, %add3A_153, %sub3A_163 : vector<64x64xi1>, vector<64x64xf32>
      %get3A_165 = arith.constant 0 : index
      %get3A_166 = arith.constant 0 : index
      %get3A_167 = vector.load %arg14[%get3A_165, %get3A_166] : memref<64x128xf32, #tpu.memory_space<vmem>>, vector<64x128xf32>
      %dot_general3A_168 = arith.constant dense<0.000000e+00> : vector<64x128xf32>
      %dot_general3A_169 = tpu.matmul %select_n3A_164, %get3A_167, %dot_general3A_168 {dimension_numbers = #tpu.dot_dimension_numbers<[1], [0], [0], [1], [0, 0, 1, 1], [], []>, transpose_lhs_hint = false} : vector<64x64xf32>, vector<64x128xf32>, vector<64x128xf32> -> vector<64x128xf32>
      %get3A_170 = arith.constant 0 : index
      %get3A_171 = arith.constant 0 : index
      %get3A_172 = vector.load %arg15[%get3A_170, %get3A_171] : memref<1x128xf32, #tpu.memory_space<vmem>>, vector<1x128xf32>
      %add3A_173 = vector.broadcast %get3A_172 : vector<1x128xf32> to vector<64x128xf32>
      %add3A_174 = arith.addf %dot_general3A_169, %add3A_173 : vector<64x128xf32>
      %swap3A_175 = arith.constant 0 : index
      %swap3A_176 = arith.constant 0 : index
      %swap3A_177 = vector.load %arg16[%swap3A_175, %swap3A_176] : memref<64x128xf32, #tpu.memory_space<vmem>>, vector<64x128xf32>
      tpu.vector_store %arg16[%swap3A_175, %swap3A_176], %add3A_174 {strides = array<i32>} : memref<64x128xf32, #tpu.memory_space<vmem>>, vector<64x128xf32>,
    } else {
    }
    return
  }
  func.func @transform_0(%arg0: i32) -> (i32, i32) {
    %c0_i32 = arith.constant 0 : i32
    %c0_i32_0 = arith.constant 0 : i32
    %c0_i32_1 = arith.constant 0 : i32
    return %c0_i32, %c0_i32_0 : i32, i32
  }
  func.func @transform_1(%arg0: i32) -> (i32, i32) {
    %c0_i32 = arith.constant 0 : i32
    %c0_i32_0 = arith.constant 0 : i32
    %c0_i32_1 = arith.constant 0 : i32
    return %c0_i32, %c0_i32_0 : i32, i32
  }
  func.func @transform_2(%arg0: i32) -> (i32, i32) {
    %c0_i32 = arith.constant 0 : i32
    %c0_i32_0 = arith.constant 0 : i32
    %c0_i32_1 = arith.constant 0 : i32
    return %c0_i32, %c0_i32_0 : i32, i32
  }
  func.func @transform_3(%arg0: i32) -> (i32, i32, i32) {
    %c0_i32 = arith.constant 0 : i32
    %c0_i32_0 = arith.constant 0 : i32
    %c0_i32_1 = arith.constant 0 : i32
    return %arg0, %c0_i32, %c0_i32_0 : i32, i32, i32
  }
  func.func @transform_4(%arg0: i32) -> (i32, i32) {
    %c0_i32 = arith.constant 0 : i32
    %c0_i32_0 = arith.constant 0 : i32
    return %arg0, %c0_i32 : i32, i32
  }
  func.func @transform_5(%arg0: i32) -> (i32, i32) {
    %c0_i32 = arith.constant 0 : i32
    %c0_i32_0 = arith.constant 0 : i32
    %c0_i32_1 = arith.constant 0 : i32
    return %c0_i32, %c0_i32_0 : i32, i32
  }
  func.func @transform_6(%arg0: i32) -> (i32, i32) {
    %c0_i32 = arith.constant 0 : i32
    %c0_i32_0 = arith.constant 0 : i32
    %c0_i32_1 = arith.constant 0 : i32
    return %c0_i32, %c0_i32_0 : i32, i32
  }
  func.func @transform_7(%arg0: i32) -> (i32, i32) {
    %c0_i32 = arith.constant 0 : i32
    %c0_i32_0 = arith.constant 0 : i32
    %c0_i32_1 = arith.constant 0 : i32
    return %c0_i32, %c0_i32_0 : i32, i32
  }
  func.func @transform_8(%arg0: i32) -> (i32, i32) {
    %c0_i32 = arith.constant 0 : i32
    %c0_i32_0 = arith.constant 0 : i32
    %c0_i32_1 = arith.constant 0 : i32
    return %c0_i32, %c0_i32_0 : i32, i32
  }
  func.func @transform_9(%arg0: i32) -> (i32, i32) {
    %c0_i32 = arith.constant 0 : i32
    %c0_i32_0 = arith.constant 0 : i32
    %c0_i32_1 = arith.constant 0 : i32
    return %c0_i32, %c0_i32_0 : i32, i32
  }
  func.func @transform_10(%arg0: i32) -> (i32, i32) {
    %c0_i32 = arith.constant 0 : i32
    %c0_i32_0 = arith.constant 0 : i32
    %c0_i32_1 = arith.constant 0 : i32
    return %c0_i32, %c0_i32_0 : i32, i32
  }
  func.func @transform_11(%arg0: i32) -> (i32, i32) {
    %c0_i32 = arith.constant 0 : i32
    %c0_i32_0 = arith.constant 0 : i32
    %c0_i32_1 = arith.constant 0 : i32
    return %c0_i32, %c0_i32_0 : i32, i32
  }
  func.func @transform_12(%arg0: i32) -> (i32, i32) {
    %c0_i32 = arith.constant 0 : i32
    %c0_i32_0 = arith.constant 0 : i32
    %c0_i32_1 = arith.constant 0 : i32
    return %c0_i32, %c0_i32_0 : i32, i32
  }
  func.func @transform_13(%arg0: i32) -> (i32, i32) {
    %c0_i32 = arith.constant 0 : i32
    %c0_i32_0 = arith.constant 0 : i32
    %c0_i32_1 = arith.constant 0 : i32
    return %c0_i32, %c0_i32_0 : i32, i32
  }
  func.func @transform_14(%arg0: i32) -> (i32, i32) {
    %c0_i32 = arith.constant 0 : i32
    %c0_i32_0 = arith.constant 0 : i32
    %c0_i32_1 = arith.constant 0 : i32
    return %c0_i32, %c0_i32_0 : i32, i32
  }
  func.func @transform_15(%arg0: i32) -> (i32, i32) {
    %c0_i32 = arith.constant 0 : i32
    %c0_i32_0 = arith.constant 0 : i32
    %c0_i32_1 = arith.constant 0 : i32
    return %c0_i32, %c0_i32_0 : i32, i32
  }
}

</mosaic_0001>

<sc_bundles>
// kernel: kernel.11.cloned.1.call-start
scs
__scs_entry_jumppad:
0x0: {  	(pc) =	sbr.rel $0x88, $3  }
0x1: {  	(tag) =	ssettag $0x0;
	lr =	simm.s32 $0x1  }
0x2: {  	[smem:$0x3F85] =	sst lr;
	_ =	strace $0xD0000000  }
0x3: {  	_ = 	snop  }
0x4: {  	_ = 	snop  }
0x5: {  	_ = 	snop  }
0x6: {  	_ = 	snop  }
0x7: {  	_ = 	snop  }
__scs_overlays_trampoline_lowered:
0x8: {  	[smem:$0x3F94] =	sst s0  }
0x9: {  	[smem:$0x3F95] =	sst s1  }
0xa: {  	[smem:$0x3F96] =	sst s2  }
0xb: {  	[smem:$0x3F97] =	sst s3  }
0xc: {  	[smem:$0x3F98] =	sst s4  }
0xd: {  	[smem:$0x3F99] =	sst s5  }
0xe: {  	[smem:$0x3F9A] =	sst s6  }
0xf: {  	[smem:$0x3F9B] =	sst s7  }
0x10: {  	[smem:$0x3F9C] =	sst s8  }
0x11: {  	[smem:$0x3F9D] =	sst s9;
	s0 =	simm.s32 @!p0 $0x0  }
0x12: {  	s1 =	sld [smem:$0x3F83];
	s0 =	simm.s32 @p0 $0x1  }
0x13: {  	[smem:$0x3F9E] =	sst s0;
	s0 =	simm.s32 @!p1 $0x0  }
0x14: {  	s2 =	sld [smem:$0x3F82];
	s0 =	simm.s32 @p1 $0x1  }
0x15: {  	[smem:$0x3F9F] =	sst s0;
	s0 =	simm.s32 @!p2 $0x0  }
0x16: {  	s3 =	sld [smem:$0x3FDB];
	s0 =	simm.s32 @p2 $0x1  }
0x17: {  	s4 =	simm.s32 $0x1BF5;
	[smem:$0x3FA1] =	sst s0  }
0x18: {  	s0 =	sld [smem:$0x3F84];
	_ =	swait.ge [sflag:s4], $0x0  }
0x19: {  	s7 =	sld [smem:$0x3F85]  }
0x1a: {  	s8 =	sadd.s32 $0xFFFFE003, lr  }
0x1b: {  	s9 =	sadd.s32 $0xFFFFFEF7, lr;
	s5 =	simm.s32 $0xFFFFFFFF;
	p2 =	slt.u32 s8, $0xFFFFF086  }
0x1c: {  	p1 =	slt.u32 s9, $0xF7A;
	s5 =	simm.s32 @!p2 $0x0  }
0x1d: {  	s5 =	simm.s32 @p1 $0x1;
	p0 =	seq.s32 s7, s2  }
0x1e: {  	s7 =	smul.u32 @!p0 $0xF7A, s2;
	p2 =	seq.s32 @!p0 s5, $0x0  }
0x1f: {  	s9 =	smul.u32 $0xF7A, s1;
	s8 =	simm.s32 @!p0 $0x1BF5;
	p2 =	por !p2, p0  }
0x20: {  	[sflag:s8] =	ssyncset.s32 @!p0 $0xFFFFF086;
	s6 =	sadd.s32 @!p0 s3, s7;
	s7 =	simm.s32 @!p0 $0x108  }
0x21: {  	s3 =	sadd.s32 s3, s9;
	s6 =	sadd.s32 @!p0 $0x88, s6;
	s7 =	simm.s32 @p2 $0x1082  }
0x22: {  	[simem:s7], [sflag:s8] =	dma.local @!p0 [hbm:s6], $0xF7A  }
0x23: {  	s9 =	sor.u32 $0xD0000000, s2;
	s6 =	simm.s32 $0x108;
	_ =	swait.ge @!p0 [sflag:s8], $0x0  }
0x24: {  	s3 =	sadd.s32 $0x88, s3;
	s6 =	simm.s32 @!p1 $0x1082;
	[sflag:s4] =	ssyncset.s32 $0xFFFFF086  }
0x25: {  	[simem:s6], [sflag:s4] =	dma.local [hbm:s3], $0xF7A  }
0x26: {  	[smem:$0x3F85] =	sst s1;
	(tag) =	ssettag s2;
	_ =	strace s9  }
0x27: {  	s1 =	sld [smem:$0x3F95]  }
0x28: {  	s2 =	sld [smem:$0x3F96]  }
0x29: {  	s4 =	sld [smem:$0x3F98]  }
0x2a: {  	p0 =	seq.s32 s5, $0x0;
	s5 =	sld [smem:$0x3F99]  }
0x2b: {  	s6 =	sld [smem:$0x3F9A]  }
0x2c: {  	s7 =	sld [smem:$0x3F9B]  }
0x2d: {  	s3 =	simm.s32 $0x108;
	s8 =	sld [smem:$0x3F9C]  }
0x2e: {  	s3 =	simm.s32 @!p0 $0x1082;
	s9 =	sld [smem:$0x3F9D]  }
0x2f: {  	lr =	sadd.s32 s0, s3;
	s0 =	sld [smem:$0x3F94]  }
0x30: {  	s3 =	sld [smem:$0x3F97]  }
0x31: {  	[smem:$0x3FA0] =	sst s10  }
0x32: {  	s10 =	sld [smem:$0x3F9E];
	_ =	sdelay $0x3  }
0x33: {  	p0 =	seq.s32 s10, $0x1;
	s10 =	sld [smem:$0x3FA0];
	_ =	sdelay $0x3  }
0x34: {  	[smem:$0x3FA0] =	sst s10  }
0x35: {  	s10 =	sld [smem:$0x3F9F];
	_ =	sdelay $0x3  }
0x36: {  	p1 =	seq.s32 s10, $0x1;
	s10 =	sld [smem:$0x3FA0];
	_ =	sdelay $0x3  }
0x37: {  	[smem:$0x3FA0] =	sst s10  }
0x38: {  	s10 =	sld [smem:$0x3FA1]  }
0x39: {  	_ = 	snop;
	(pc) =	sbr.ind lr, $3  }
0x3a: {  	_ = 	snop  }
0x3b: {  	_ = 	snop  }
0x3c: {  	p2 =	seq.s32 s10, $0x1;
	s10 =	sld [smem:$0x3FA0]  }
0x3d: {  	_ =	shalt  }
0x3e: {  	_ =	shalt  }
0x3f: {  	_ =	shalt  }
0x40: {  	_ =	shalt  }
0x41: {  	_ =	shalt  }
0x42: {  	_ =	shalt  }
0x43: {  	_ =	shalt  }
0x44: {  	_ =	shalt  }
0x45: {  	_ =	shalt  }
0x46: {  	_ =	shalt  }
0x47: {  	_ =	shalt  }
0x48: {  	_ =	shalt  }
0x49: {  	_ =	shalt  }
0x4a: {  	_ =	shalt  }
0x4b: {  	_ =	shalt  }
0x4c: {  	_ =	shalt  }
0x4d: {  	_ =	shalt  }
0x4e: {  	_ =	shalt  }
0x4f: {  	_ =	shalt  }
0x50: {  	_ =	shalt  }
0x51: {  	_ =	shalt  }
0x52: {  	_ =	shalt  }
0x53: {  	_ =	shalt  }
0x54: {  	_ =	shalt  }
0x55: {  	_ =	shalt  }
0x56: {  	_ =	shalt  }
0x57: {  	_ =	shalt  }
0x58: {  	_ =	shalt  }
0x59: {  	_ =	shalt  }
0x5a: {  	_ =	shalt  }
0x5b: {  	_ =	shalt  }
0x5c: {  	_ =	shalt  }
0x5d: {  	_ =	shalt  }
0x5e: {  	_ =	shalt  }
0x5f: {  	_ =	shalt  }
0x60: {  	_ =	shalt  }
0x61: {  	_ =	shalt  }
0x62: {  	_ =	shalt  }
0x63: {  	_ =	shalt  }
0x64: {  	_ =	shalt  }
0x65: {  	_ =	shalt  }
0x66: {  	_ =	shalt  }
0x67: {  	_ =	shalt  }
0x68: {  	_ =	shalt  }
0x69: {  	_ =	shalt  }
0x6a: {  	_ =	shalt  }
0x6b: {  	_ =	shalt  }
0x6c: {  	_ =	shalt  }
0x6d: {  	_ =	shalt  }
0x6e: {  	_ =	shalt  }
0x6f: {  	_ =	shalt  }
0x70: {  	_ =	shalt  }
0x71: {  	_ =	shalt  }
0x72: {  	_ =	shalt  }
0x73: {  	_ =	shalt  }
0x74: {  	_ =	shalt  }
0x75: {  	_ =	shalt  }
0x76: {  	_ =	shalt  }
0x77: {  	_ =	shalt  }
0x78: {  	_ =	shalt  }
0x79: {  	_ =	shalt  }
0x7a: {  	_ =	shalt  }
0x7b: {  	_ =	shalt  }
0x7c: {  	_ =	shalt  }
0x7d: {  	_ =	shalt  }
0x7e: {  	_ =	shalt  }
0x7f: {  	_ =	shalt  }
0x80: {  	_ =	shalt  }
0x81: {  	_ =	shalt  }
0x82: {  	_ =	shalt  }
0x83: {  	_ =	shalt  }
0x84: {  	_ =	shalt  }
0x85: {  	_ =	shalt  }
0x86: {  	_ =	shalt  }
0x87: {  	_ =	shalt  }
.Lfunc_end0:
.L_simem_size_0:
called_computation.1_lowered:
.L_overlay_start_0:
0x88: {  	s2 =	sld [smem:$0x3FD9]  }
0x89: {  	s3 =	sld [smem:$0x3FFE];
	_ =	sdelay $0x1  }
0x8a: {  	s1 =	srdreg.scid  }
0x8b: {  	s0 =	sand.u32 $0x1, s1  }
0x8c: {  	s16 =	sshll.u32 s0, $0xA;
	s2 =	sadd.s32 s3, s2  }
0x8d: {  	s2 =	sadd.s32 s2, s16  }
0x8e: {  	[smem:$0x3FAC] =	sst s2  }
0x8f: {  	_ = 	snop  }
0x90: {  	(tm) =	ssettm $0x1  }
0x91: {  	s17 =	sld [smem:$0x3FFB];
	_ =	sdelay $0x3  }
0x92: {  	_ =	strace s17  }
0x93: {  	s2 =	sld [smem:$0x3FFC];
	_ =	sdelay $0x3  }
0x94: {  	_ =	strace s2  }
0x95: {  	s2 =	sld [smem:$0x3FFD];
	_ =	sdelay $0x3  }
0x96: {  	_ =	strace s2  }
0x97: {  	_ =	strace $0x8FFFFFFF  }
0x98: {  	s18 =	sld [smem:$0x3FDB];
	_ =	sdelay $0x1  }
0x99: {  	s19 =	simm.s32 $_scs_section_size  }
0x9a: {  	s4 =	simm.s32 $_size__tile_overlayer_lowered;
	s5 =	simm.s32 $_tile_overlayer_lowered  }
0x9b: {  	s22 =	simm.s32 $0x1BFF;
	s21 =	sshll.u32 s5, $0x1;
	s2 =	sadd.s32 s19, s18  }
0x9c: {  	s6 =	simm.s32 $0x0;
	s20 =	sshll.u32 s4, $0x1;
	s4 =	sadd.s32 s21, s2  }
0x9d: {  	[timem:s6], [sflag:s22] =	dma.local [hbm:s4], s20  }
0x9e: {  	_ =	swait.ge [sflag:s22], s20  }
0x9f: {  	s3 =	ssub.s32 $0x0, s20;
	[sflag:s22] =	ssyncset.done $0x0  }
0xa0: {  	[sflag:s22] =	ssyncadd.s32 s3;
	_ =	sdelay $0x1  }
0xa1: {  	s23 =	simm.s32 $0x1B8B  }
0xa2: {  	_ =	swait.ge [sflag:s23], $0x1  }
0xa3: {  	[sflag:s23] =	ssyncset.done $0x0  }
0xa4: {  	s25 =	simm.s32 $0x1B8E;
	s24 =	sld [smem:$0x3FFE];
	[sflag:s23] =	ssyncadd.s32 $0xFFFFFFFF  }
0xa5: {  	s26 =	simm.s32 $execute0_lowered;
	[smem:$0x3FD2] =	sst s25  }
0xa6: {  	s4 =	sshll.u32 s26, $0x1;
	_ =	strace $0x80000049;
	[dreg:$0x1] =	wrdreg $0xFFFFFFFF  }
0xa7: {  	s28 =	simm.s32 $_size_execute0_lowered;
	s2 =	sadd.s32 s2, s4;
	[dreg:$0x0] =	wrdreg $0x0  }
0xa8: {  	s4 =	sshll.u32 s28, $0x1;
	[dreg:$0x2] =	wrdreg s2  }
0xa9: {  	[dreg:$0x3] =	wrdreg s4  }
0xaa: {  	[dreg:$0x4] =	wrdreg $0xC0  }
0xab: {  	_ =	task [dreg:s6], $0x5FFFF  }
0xac: {  	[dreg:$0x1] =	wrdreg $0xFFFFFFFF  }
0xad: {  	[dreg:$0x0] =	wrdreg $0x60  }
0xae: {  	[dreg:$0x2] =	wrdreg s24  }
0xaf: {  	[dreg:$0x3] =	wrdreg $0x9  }
0xb0: {  	_ =	task.clear_ibuf [dreg:s6], $0x4FFFF;
	_ =	strace $0x90000049  }
0xb1: {  	s29 =	simm.s32 $0x9;
	_ =	strace $0x8000004B  }
0xb2: {  	_ =	swait.ge [sflag:s29], $0x1  }
0xb3: {  	[sflag:s29] =	ssyncadd.s32 $0xFFFFFFFF  }
0xb4: {  	_ =	strace $0x9000004B  }
0xb5: {  	_ =	sfence  }
0xb6: {  	s30 =	sld [smem:$0x0];
	_ =	sdelay $0x2  }
0xb7: {  	s31 =	sshll.u32 s1, $0xD;
	s1 =	sshrl.u32 s1, $0x2  }
0xb8: {  	s3 =	sand.u32 $0x4000, s31;
	s1 =	sadd.s32 s1, s30  }
0xb9: {  	s0 =	sor.u32 s3, s0;
	s1 =	sshll.u32 s1, $0x11  }
0xba: {  	s0 =	sor.u32 s1, s0  }
0xbb: {  	s0 =	sadd.s32 $0x8F2B, s0  }
0xbc: {  	[sflag:s0] =	ssyncadd.remote.s32 $0x1  }
0xbd: {  	_ =	sfence.sel $0xFFFF  }
0xbe: {  	[dreg:$0x0] =	wrdreg $0xFFFFFFFF;
	(pc) =	sbr.abs _section_cstart, $3  }
0xbf: {  	[dreg:$0x1] =	wrdreg $0xFFFFFFFF  }
0xc0: {  	_ =	task.clear_ibuf [dreg:s6], $0x2FFFF;
	_ =	strace $0x9FFFFFFF  }
0xc1: {  	(tm) =	ssettm $0x7FFFFFFF  }
tec
execute0_lowered:
.L_overlay_start_1:
0x0: {  	(tag) =	ssettag $0x1  }
0x1: {  	s1 =	srdreg.scid  }
0x2: {  	s0 =	stileid.u32;
	s9 =	rddreg [dreg:$0x0];
	s6 =	sand.u32 $0x1, s1  }
0x3: {  	s7 =	simm.s32 $0x80;
	s30 =	sshll.u32 s0, $0x7;
	s2 =	sshll.u32 s6, $0x6  }
0x4: {  	s8 =	simm.s32 $0x1;
	s1 =	rddreg [dreg:$0x1];
	s10 =	sor.u32 s2, s30  }
0x5: {  	s5 =	sadd.s32 $0x4200, s9;
	s2 =	simm.s32 $0x0;
	s3 =	sshrl.u32 s10, $0x3  }
0x6: {  	s11 =	ssub.s32 $0x2, s6;
	[smem:$0x7FF] =	sst s2;
	s3 =	sadd.s32 s3, s9  }
0x7: {  	_ =	strace $0x8000004A;
	s4 =	sadd.s32 $0x4000, s3;
	s3 =	simm.s32 $0x2  }
0x8: {  	[tilespmem:s2], [sflag:$0x2] =	stream.linear.gather [hbm4b:s4+s2], $0x40, $0x38;
	[tilespmem:$0x2080] =	vst v63  }
0x9: {  	s6 =	simm.s32 $0x40;
	s12 =	sshrl.u32 s11, $0x1;
	_ =	swait.ge [sflag:s3], $0x40  }
0xa: {  	s10 =	sshll.u32 s10, $0x4;
	s31 =	ssub.s32 s11, s12;
	[sflag:s3] =	ssyncset.done $0x0  }
0xb: {  	s9 =	sadd.s32 s10, s9;
	s10 =	smax.u32 s31, $0x1;
	[sflag:s3] =	ssyncadd.s32 $0xFFFFFFC0  }
0xc: {  	[tilespmem:s7], [sflag:$0x1] =	stream.indirect.gather [hbm4b:s5+s6], $0x80, s2, s6, $0xb8;
	[tilespmem:$0x2080] =	vst v63  }
0xd: {  	p0 =	sne.s32 s10, $0x1;
	_ =	swait.ge [sflag:s8], $0x2000  }
.Ltmp0:
0xe: {  	[sflag:s8] =	ssyncset.done $0x0;
	(pc) =	sbr.rel @!p0 .LBB2_2-.Ltmp0, $4  }
0xf: {  	s9 =	sadd.s32 $0x8200, s9;
	[sflag:s8] =	ssyncadd.s32 $0xFFFFE000  }
0x10: {  	[hbm4b:s9+s2] =	stream.linear.scatter [tilespmem:s7], [sflag:$0x2], $0x2000, $0x38;
	[tilespmem:$0x2080] =	vst v63  }
0x11: {  	_ =	swait.ge [sflag:s3], $0x2000  }
0x12: {  	s10 =	sadd.s32 $0xFFFFFFFF, s10;
	[sflag:s3] =	ssyncset.done $0x0  }
.LBB2_1:
0x13: {  	p0 =	sne.s32 s10, $0x1;
	s10 =	sadd.s32 $0xFFFFFFFF, s10;
	[sflag:s3] =	ssyncadd.s32 $0xFFFFE000  }
0x14: {  	[tilespmem:s2], [sflag:$0x2] =	stream.linear.gather [hbm4b:s4+s2], $0x40, $0x38;
	[tilespmem:$0x2080] =	vst v63  }
0x15: {  	_ =	swait.ge [sflag:s3], $0x40  }
0x16: {  	[sflag:s3] =	ssyncset.done $0x0  }
0x17: {  	[sflag:s3] =	ssyncadd.s32 $0xFFFFFFC0  }
0x18: {  	[tilespmem:s7], [sflag:$0x1] =	stream.indirect.gather [hbm4b:s5+s6], $0x80, s2, s6, $0xb8;
	[tilespmem:$0x2080] =	vst v63  }
0x19: {  	_ =	swait.ge [sflag:s8], $0x2000  }
.Ltmp1:
0x1a: {  	[sflag:s8] =	ssyncset.done $0x0;
	(pc) =	sbr.rel @p0 .LBB2_1-.Ltmp1, $4  }
0x1b: {  	[sflag:s8] =	ssyncadd.s32 $0xFFFFE000  }
0x1c: {  	[hbm4b:s9+s2] =	stream.linear.scatter [tilespmem:s7], [sflag:$0x2], $0x2000, $0x38;
	[tilespmem:$0x2080] =	vst v63  }
0x1d: {  	_ =	swait.ge [sflag:s3], $0x2000  }
0x1e: {  	[sflag:s3] =	ssyncset.done $0x0  }
.LBB2_2:
0x1f: {  	[sflag:s3] =	ssyncadd.s32 $0xFFFFE000  }
0x20: {  	_ =	sfence.sel $0x180000  }
0x21: {  	[bflag:$0x0] =	sbarrier.arrive $0xFFFF  }
0x22: {  	p0 =	sne.s32 s0, $0x0;
	_ =	strace $0x9000004A  }
0x23: {  	s0 =	sadd.s32 @!p0 $0x100000, s1;
	[bflag:$0x2] =	sbarrier.arrive $0xFFFF  }
0x24: {  	[sflag:s0] =	ssyncadd.tile.s32 @!p0 $0x1;
	_ =	shalt  }
.Lfunc_end2:
_tile_overlayer_lowered:
.L_overlay_start_2:
0x25: {  	(tag) =	ssettag $0x2  }
0x26: {  	s0 =	rddreg [dreg:$0x0];
	s2 =	stileid.u32  }
0x27: {  	s1 =	rddreg [dreg:$0x1];
	p0 =	sne.s32 s2, $0x0  }
0x28: {  	s3 =	rddreg [dreg:$0x2];
	[bflag:$0x3] =	sbarrier.arrive $0xFFFF;
	s2 =	simm.s32 @!p0 $0x1C02  }
0x29: {  	[timem:s3], [sflag:s2] =	dma.local @!p0 [hbm:s0], s1  }
0x2a: {  	s0 =	simm.s32 @!p0 $0x2  }
0x2b: {  	_ =	swait.ge @!p0 [sflag:s0], s1  }
0x2c: {  	s1 =	ssub.s32 @!p0 $0x0, s1;
	[sflag:s0] =	ssyncset.done @!p0 $0x0  }
0x2d: {  	[sflag:s0] =	ssyncadd.s32 @!p0 s1  }
0x2e: {  	[bflag:$0x3] =	sbarrier.arrive $0xFFFF  }
0x2f: {  	_ =	shalt  }

// kernel: kernel.14.cloned.1.call-start
scs
__scs_entry_jumppad:
0x0: {  	(pc) =	sbr.rel $0x88, $3  }
0x1: {  	(tag) =	ssettag $0x0;
	lr =	simm.s32 $0x1  }
0x2: {  	[smem:$0x3F85] =	sst lr;
	_ =	strace $0xD0000000  }
0x3: {  	_ = 	snop  }
0x4: {  	_ = 	snop  }
0x5: {  	_ = 	snop  }
0x6: {  	_ = 	snop  }
0x7: {  	_ = 	snop  }
__scs_overlays_trampoline_lowered:
0x8: {  	[smem:$0x3F94] =	sst s0  }
0x9: {  	[smem:$0x3F95] =	sst s1  }
0xa: {  	[smem:$0x3F96] =	sst s2  }
0xb: {  	[smem:$0x3F97] =	sst s3  }
0xc: {  	[smem:$0x3F98] =	sst s4  }
0xd: {  	[smem:$0x3F99] =	sst s5  }
0xe: {  	[smem:$0x3F9A] =	sst s6  }
0xf: {  	[smem:$0x3F9B] =	sst s7  }
0x10: {  	[smem:$0x3F9C] =	sst s8  }
0x11: {  	[smem:$0x3F9D] =	sst s9;
	s0 =	simm.s32 @!p0 $0x0  }
0x12: {  	s1 =	sld [smem:$0x3F83];
	s0 =	simm.s32 @p0 $0x1  }
0x13: {  	[smem:$0x3F9E] =	sst s0;
	s0 =	simm.s32 @!p1 $0x0  }
0x14: {  	s2 =	sld [smem:$0x3F82];
	s0 =	simm.s32 @p1 $0x1  }
0x15: {  	[smem:$0x3F9F] =	sst s0;
	s0 =	simm.s32 @!p2 $0x0  }
0x16: {  	s3 =	sld [smem:$0x3FDB];
	s0 =	simm.s32 @p2 $0x1  }
0x17: {  	s4 =	simm.s32 $0x1BF5;
	[smem:$0x3FA1] =	sst s0  }
0x18: {  	s0 =	sld [smem:$0x3F84];
	_ =	swait.ge [sflag:s4], $0x0  }
0x19: {  	s7 =	sld [smem:$0x3F85]  }
0x1a: {  	s8 =	sadd.s32 $0xFFFFE003, lr  }
0x1b: {  	s9 =	sadd.s32 $0xFFFFFEF7, lr;
	s5 =	simm.s32 $0xFFFFFFFF;
	p2 =	slt.u32 s8, $0xFFFFF086  }
0x1c: {  	p1 =	slt.u32 s9, $0xF7A;
	s5 =	simm.s32 @!p2 $0x0  }
0x1d: {  	s5 =	simm.s32 @p1 $0x1;
	p0 =	seq.s32 s7, s2  }
0x1e: {  	s7 =	smul.u32 @!p0 $0xF7A, s2;
	p2 =	seq.s32 @!p0 s5, $0x0  }
0x1f: {  	s9 =	smul.u32 $0xF7A, s1;
	s8 =	simm.s32 @!p0 $0x1BF5;
	p2 =	por !p2, p0  }
0x20: {  	[sflag:s8] =	ssyncset.s32 @!p0 $0xFFFFF086;
	s6 =	sadd.s32 @!p0 s3, s7;
	s7 =	simm.s32 @!p0 $0x108  }
0x21: {  	s3 =	sadd.s32 s3, s9;
	s6 =	sadd.s32 @!p0 $0x88, s6;
	s7 =	simm.s32 @p2 $0x1082  }
0x22: {  	[simem:s7], [sflag:s8] =	dma.local @!p0 [hbm:s6], $0xF7A  }
0x23: {  	s9 =	sor.u32 $0xD0000000, s2;
	s6 =	simm.s32 $0x108;
	_ =	swait.ge @!p0 [sflag:s8], $0x0  }
0x24: {  	s3 =	sadd.s32 $0x88, s3;
	s6 =	simm.s32 @!p1 $0x1082;
	[sflag:s4] =	ssyncset.s32 $0xFFFFF086  }
0x25: {  	[simem:s6], [sflag:s4] =	dma.local [hbm:s3], $0xF7A  }
0x26: {  	[smem:$0x3F85] =	sst s1;
	(tag) =	ssettag s2;
	_ =	strace s9  }
0x27: {  	s1 =	sld [smem:$0x3F95]  }
0x28: {  	s2 =	sld [smem:$0x3F96]  }
0x29: {  	s4 =	sld [smem:$0x3F98]  }
0x2a: {  	p0 =	seq.s32 s5, $0x0;
	s5 =	sld [smem:$0x3F99]  }
0x2b: {  	s6 =	sld [smem:$0x3F9A]  }
0x2c: {  	s7 =	sld [smem:$0x3F9B]  }
0x2d: {  	s3 =	simm.s32 $0x108;
	s8 =	sld [smem:$0x3F9C]  }
0x2e: {  	s3 =	simm.s32 @!p0 $0x1082;
	s9 =	sld [smem:$0x3F9D]  }
0x2f: {  	lr =	sadd.s32 s0, s3;
	s0 =	sld [smem:$0x3F94]  }
0x30: {  	s3 =	sld [smem:$0x3F97]  }
0x31: {  	[smem:$0x3FA0] =	sst s10  }
0x32: {  	s10 =	sld [smem:$0x3F9E];
	_ =	sdelay $0x3  }
0x33: {  	p0 =	seq.s32 s10, $0x1;
	s10 =	sld [smem:$0x3FA0];
	_ =	sdelay $0x3  }
0x34: {  	[smem:$0x3FA0] =	sst s10  }
0x35: {  	s10 =	sld [smem:$0x3F9F];
	_ =	sdelay $0x3  }
0x36: {  	p1 =	seq.s32 s10, $0x1;
	s10 =	sld [smem:$0x3FA0];
	_ =	sdelay $0x3  }
0x37: {  	[smem:$0x3FA0] =	sst s10  }
0x38: {  	s10 =	sld [smem:$0x3FA1]  }
0x39: {  	_ = 	snop;
	(pc) =	sbr.ind lr, $3  }
0x3a: {  	_ = 	snop  }
0x3b: {  	_ = 	snop  }
0x3c: {  	p2 =	seq.s32 s10, $0x1;
	s10 =	sld [smem:$0x3FA0]  }
0x3d: {  	_ =	shalt  }
0x3e: {  	_ =	shalt  }
0x3f: {  	_ =	shalt  }
0x40: {  	_ =	shalt  }
0x41: {  	_ =	shalt  }
0x42: {  	_ =	shalt  }
0x43: {  	_ =	shalt  }
0x44: {  	_ =	shalt  }
0x45: {  	_ =	shalt  }
0x46: {  	_ =	shalt  }
0x47: {  	_ =	shalt  }
0x48: {  	_ =	shalt  }
0x49: {  	_ =	shalt  }
0x4a: {  	_ =	shalt  }
0x4b: {  	_ =	shalt  }
0x4c: {  	_ =	shalt  }
0x4d: {  	_ =	shalt  }
0x4e: {  	_ =	shalt  }
0x4f: {  	_ =	shalt  }
0x50: {  	_ =	shalt  }
0x51: {  	_ =	shalt  }
0x52: {  	_ =	shalt  }
0x53: {  	_ =	shalt  }
0x54: {  	_ =	shalt  }
0x55: {  	_ =	shalt  }
0x56: {  	_ =	shalt  }
0x57: {  	_ =	shalt  }
0x58: {  	_ =	shalt  }
0x59: {  	_ =	shalt  }
0x5a: {  	_ =	shalt  }
0x5b: {  	_ =	shalt  }
0x5c: {  	_ =	shalt  }
0x5d: {  	_ =	shalt  }
0x5e: {  	_ =	shalt  }
0x5f: {  	_ =	shalt  }
0x60: {  	_ =	shalt  }
0x61: {  	_ =	shalt  }
0x62: {  	_ =	shalt  }
0x63: {  	_ =	shalt  }
0x64: {  	_ =	shalt  }
0x65: {  	_ =	shalt  }
0x66: {  	_ =	shalt  }
0x67: {  	_ =	shalt  }
0x68: {  	_ =	shalt  }
0x69: {  	_ =	shalt  }
0x6a: {  	_ =	shalt  }
0x6b: {  	_ =	shalt  }
0x6c: {  	_ =	shalt  }
0x6d: {  	_ =	shalt  }
0x6e: {  	_ =	shalt  }
0x6f: {  	_ =	shalt  }
0x70: {  	_ =	shalt  }
0x71: {  	_ =	shalt  }
0x72: {  	_ =	shalt  }
0x73: {  	_ =	shalt  }
0x74: {  	_ =	shalt  }
0x75: {  	_ =	shalt  }
0x76: {  	_ =	shalt  }
0x77: {  	_ =	shalt  }
0x78: {  	_ =	shalt  }
0x79: {  	_ =	shalt  }
0x7a: {  	_ =	shalt  }
0x7b: {  	_ =	shalt  }
0x7c: {  	_ =	shalt  }
0x7d: {  	_ =	shalt  }
0x7e: {  	_ =	shalt  }
0x7f: {  	_ =	shalt  }
0x80: {  	_ =	shalt  }
0x81: {  	_ =	shalt  }
0x82: {  	_ =	shalt  }
0x83: {  	_ =	shalt  }
0x84: {  	_ =	shalt  }
0x85: {  	_ =	shalt  }
0x86: {  	_ =	shalt  }
0x87: {  	_ =	shalt  }
.Lfunc_end0:
.L_simem_size_0:
called_computation.2_lowered:
.L_overlay_start_0:
0x88: {  	s2 =	sld [smem:$0x3FD9]  }
0x89: {  	s3 =	sld [smem:$0x3FFE];
	_ =	sdelay $0x1  }
0x8a: {  	s1 =	srdreg.scid  }
0x8b: {  	s0 =	sand.u32 $0x1, s1  }
0x8c: {  	s16 =	sshll.u32 s0, $0xA;
	s2 =	sadd.s32 s3, s2  }
0x8d: {  	s2 =	sadd.s32 s2, s16  }
0x8e: {  	[smem:$0x3FAC] =	sst s2  }
0x8f: {  	_ = 	snop  }
0x90: {  	(tm) =	ssettm $0x1  }
0x91: {  	s17 =	sld [smem:$0x3FFB];
	_ =	sdelay $0x3  }
0x92: {  	_ =	strace s17  }
0x93: {  	s2 =	sld [smem:$0x3FFC];
	_ =	sdelay $0x3  }
0x94: {  	_ =	strace s2  }
0x95: {  	s2 =	sld [smem:$0x3FFD];
	_ =	sdelay $0x3  }
0x96: {  	_ =	strace s2  }
0x97: {  	_ =	strace $0x8FFFFFFF  }
0x98: {  	s18 =	sld [smem:$0x3FDB];
	_ =	sdelay $0x1  }
0x99: {  	s19 =	simm.s32 $_scs_section_size  }
0x9a: {  	s4 =	simm.s32 $_size__tile_overlayer_lowered;
	s5 =	simm.s32 $_tile_overlayer_lowered  }
0x9b: {  	s22 =	simm.s32 $0x1BFF;
	s21 =	sshll.u32 s5, $0x1;
	s2 =	sadd.s32 s19, s18  }
0x9c: {  	s6 =	simm.s32 $0x0;
	s20 =	sshll.u32 s4, $0x1;
	s4 =	sadd.s32 s21, s2  }
0x9d: {  	[timem:s6], [sflag:s22] =	dma.local [hbm:s4], s20  }
0x9e: {  	_ =	swait.ge [sflag:s22], s20  }
0x9f: {  	s3 =	ssub.s32 $0x0, s20;
	[sflag:s22] =	ssyncset.done $0x0  }
0xa0: {  	[sflag:s22] =	ssyncadd.s32 s3;
	_ =	sdelay $0x1  }
0xa1: {  	s23 =	simm.s32 $0x1B8B  }
0xa2: {  	_ =	swait.ge [sflag:s23], $0x1  }
0xa3: {  	[sflag:s23] =	ssyncset.done $0x0  }
0xa4: {  	s25 =	simm.s32 $0x1B8E;
	s24 =	sld [smem:$0x3FFE];
	[sflag:s23] =	ssyncadd.s32 $0xFFFFFFFF  }
0xa5: {  	s26 =	simm.s32 $execute0_lowered;
	[smem:$0x3FD2] =	sst s25  }
0xa6: {  	s4 =	sshll.u32 s26, $0x1;
	_ =	strace $0x8000004C;
	[dreg:$0x1] =	wrdreg $0xFFFFFFFF  }
0xa7: {  	s28 =	simm.s32 $_size_execute0_lowered;
	s2 =	sadd.s32 s2, s4;
	[dreg:$0x0] =	wrdreg $0x0  }
0xa8: {  	s4 =	sshll.u32 s28, $0x1;
	[dreg:$0x2] =	wrdreg s2  }
0xa9: {  	[dreg:$0x3] =	wrdreg s4  }
0xaa: {  	[dreg:$0x4] =	wrdreg $0xC0  }
0xab: {  	_ =	task [dreg:s6], $0x5FFFF  }
0xac: {  	[dreg:$0x1] =	wrdreg $0xFFFFFFFF  }
0xad: {  	[dreg:$0x0] =	wrdreg $0x60  }
0xae: {  	[dreg:$0x2] =	wrdreg s24  }
0xaf: {  	[dreg:$0x3] =	wrdreg $0x9  }
0xb0: {  	_ =	task.clear_ibuf [dreg:s6], $0x4FFFF;
	_ =	strace $0x9000004C  }
0xb1: {  	s29 =	simm.s32 $0x9;
	_ =	strace $0x8000004E  }
0xb2: {  	_ =	swait.ge [sflag:s29], $0x1  }
0xb3: {  	[sflag:s29] =	ssyncadd.s32 $0xFFFFFFFF  }
0xb4: {  	_ =	strace $0x9000004E  }
0xb5: {  	_ =	sfence  }
0xb6: {  	s30 =	sld [smem:$0x0];
	_ =	sdelay $0x2  }
0xb7: {  	s31 =	sshll.u32 s1, $0xD;
	s1 =	sshrl.u32 s1, $0x2  }
0xb8: {  	s3 =	sand.u32 $0x4000, s31;
	s1 =	sadd.s32 s1, s30  }
0xb9: {  	s0 =	sor.u32 s3, s0;
	s1 =	sshll.u32 s1, $0x11  }
0xba: {  	s0 =	sor.u32 s1, s0  }
0xbb: {  	s0 =	sadd.s32 $0x8F2B, s0  }
0xbc: {  	[sflag:s0] =	ssyncadd.remote.s32 $0x1  }
0xbd: {  	_ =	sfence.sel $0xFFFF  }
0xbe: {  	[dreg:$0x0] =	wrdreg $0xFFFFFFFF;
	(pc) =	sbr.abs _section_cstart, $3  }
0xbf: {  	[dreg:$0x1] =	wrdreg $0xFFFFFFFF  }
0xc0: {  	_ =	task.clear_ibuf [dreg:s6], $0x2FFFF;
	_ =	strace $0x9FFFFFFF  }
0xc1: {  	(tm) =	ssettm $0x7FFFFFFF  }
tec
execute0_lowered:
.L_overlay_start_1:
0x0: {  	(tag) =	ssettag $0x1  }
0x1: {  	s4 =	rddreg [dreg:$0x0]  }
0x2: {  	s0 =	rddreg [dreg:$0x1]  }
0x3: {  	s3 =	srdreg.scid;
	s2 =	simm.s32 $0x0;
	s1 =	stileid.u32  }
0x4: {  	s9 =	simm.s32 $0x880;
	s10 =	simm.s32 $0x1080;
	s11 =	simm.s32 $0x1880  }
0x5: {  	s12 =	simm.s32 $0x2080;
	s13 =	simm.s32 $0x2880;
	s14 =	simm.s32 $0x3080  }
0x6: {  	s15 =	simm.s32 $0x3880;
	s16 =	simm.s32 $0x1;
	s5 =	sand.u32 $0x1, s3  }
0x7: {  	[smem:$0x7FF] =	sst s2;
	s31 =	sshll.u32 s1, $0x7;
	s6 =	sshll.u32 s5, $0x6  }
0x8: {  	s3 =	sadd.s32 $0x4200, s4;
	_ =	strace $0x8000004D;
	s6 =	sor.u32 s6, s31  }
0x9: {  	s5 =	ssub.s32 $0x2, s5;
	s7 =	sshrl.u32 s6, $0x3;
	s6 =	sshll.u32 s6, $0x5  }
0xa: {  	v2 =	vlaneseq.u32;
	s8 =	sshrl.u32 s5, $0x1;
	s7 =	sadd.s32 s7, s4;
	s6 =	sadd.s32 s6, s4  }
0xb: {  	vm0 =	vmmov $0xffff;
	v1 =	vshrl.u32 v2, $0x3;
	s8 =	ssub.s32 s5, s8;
	s4 =	sadd.s32 $0x4000, s7;
	s5 =	sadd.s32 $0xC200, s6  }
0xc: {  	v0 =	vand.u32 $0x7, v2;
	v2 =	vor.u32 $0x8, v2;
	v1 =	vmul.u32 $0x8, v1;
	s6 =	smax.u32 s8, $0x1;
	s7 =	simm.s32 $0x2;
	s8 =	simm.s32 $0x80  }
.LBB2_1:
0xd: {  	[tilespmem:s2], [sflag:$0x2] =	stream.linear.gather [hbm4b:s4+s2], $0x40, $0x38;
	[tilespmem:$0x4080] =	vst v63  }
0xe: {  	_ =	swait.ge [sflag:s7], $0x40  }
0xf: {  	[sflag:s7] =	ssyncset.done $0x0  }
0x10: {  	[sflag:s7] =	ssyncadd.s32 $0xFFFFFFC0  }
0x11: {  	v3 =	vld [tilespmem:$0x0];
	_ =	sdelay $0x4  }
0x12: {  	v4 =	vshll.u32 v3, $0x1  }
0x13: {  	v3 =	vand.u32 $0x7, v3;
	v4 =	vand.u32 $0xFFFFFFF0, v4  }
0x14: {  	v3 =	vor.u32 v3, v4  }
0x15: {  	v4 =	vperm.xlane v3, v0;
	_ =	sdelay $0x1  }
0x16: {  	v3 =	vperm.xlane v3, v2;
	v4 =	vadd.s32 v1, v4;
	_ =	sdelay $0x1  }
0x17: {  	v3 =	vadd.s32 v1, v3;
	_ =	sdelay $0x2  }
0x18: {  	[tilespmem:s8], [sflag:$0x1] =	stream.indirect_vreg.gather [hbm4b:s3+s2], $0x80, v4, vm0, $0xb8;
	[tilespmem:$0x4080] =	vst v63  }
0x19: {  	_ = 	snop  }
0x1a: {  	[tilespmem:s9], [sflag:$0x1] =	stream.indirect_vreg.gather [hbm4b:s3+s2], $0x80, v3, vm0, $0xb8;
	[tilespmem:$0x4080] =	vst v63  }
0x1b: {  	v3 =	vld [tilespmem:$0x10];
	_ =	sdelay $0x4  }
0x1c: {  	v61 =	vshll.u32 v3, $0x1  }
0x1d: {  	v3 =	vand.u32 $0x7, v3;
	v4 =	vand.u32 $0xFFFFFFF0, v61  }
0x1e: {  	v3 =	vor.u32 v3, v4  }
0x1f: {  	v4 =	vperm.xlane v3, v0;
	_ =	sdelay $0x1  }
0x20: {  	v3 =	vperm.xlane v3, v2;
	v4 =	vadd.s32 v1, v4;
	_ =	sdelay $0x1  }
0x21: {  	v3 =	vadd.s32 v1, v3;
	_ =	sdelay $0x2  }
0x22: {  	[tilespmem:s10], [sflag:$0x1] =	stream.indirect_vreg.gather [hbm4b:s3+s2], $0x80, v4, vm0, $0xb8;
	[tilespmem:$0x4080] =	vst v63  }
0x23: {  	_ = 	snop  }
0x24: {  	[tilespmem:s11], [sflag:$0x1] =	stream.indirect_vreg.gather [hbm4b:s3+s2], $0x80, v3, vm0, $0xb8;
	[tilespmem:$0x4080] =	vst v63  }
0x25: {  	v3 =	vld [tilespmem:$0x20];
	_ =	sdelay $0x4  }
0x26: {  	v62 =	vshll.u32 v3, $0x1  }
0x27: {  	v3 =	vand.u32 $0x7, v3;
	v4 =	vand.u32 $0xFFFFFFF0, v62  }
0x28: {  	v3 =	vor.u32 v3, v4  }
0x29: {  	v4 =	vperm.xlane v3, v0;
	_ =	sdelay $0x1  }
0x2a: {  	v3 =	vperm.xlane v3, v2;
	v4 =	vadd.s32 v1, v4;
	_ =	sdelay $0x1  }
0x2b: {  	v3 =	vadd.s32 v1, v3;
	_ =	sdelay $0x2  }
0x2c: {  	[tilespmem:s12], [sflag:$0x1] =	stream.indirect_vreg.gather [hbm4b:s3+s2], $0x80, v4, vm0, $0xb8;
	[tilespmem:$0x4080] =	vst v63  }
0x2d: {  	_ = 	snop  }
0x2e: {  	[tilespmem:s13], [sflag:$0x1] =	stream.indirect_vreg.gather [hbm4b:s3+s2], $0x80, v3, vm0, $0xb8;
	[tilespmem:$0x4080] =	vst v63  }
0x2f: {  	v3 =	vld [tilespmem:$0x30];
	_ =	sdelay $0x4  }
0x30: {  	v63 =	vshll.u32 v3, $0x1  }
0x31: {  	v3 =	vand.u32 $0x7, v3;
	v4 =	vand.u32 $0xFFFFFFF0, v63  }
0x32: {  	v3 =	vor.u32 v3, v4  }
0x33: {  	v4 =	vperm.xlane v3, v0;
	_ =	sdelay $0x1  }
0x34: {  	v3 =	vperm.xlane v3, v2;
	v4 =	vadd.s32 v1, v4;
	_ =	sdelay $0x1  }
0x35: {  	v3 =	vadd.s32 v1, v3;
	_ =	sdelay $0x2  }
0x36: {  	[tilespmem:s14], [sflag:$0x1] =	stream.indirect_vreg.gather [hbm4b:s3+s2], $0x80, v4, vm0, $0xb8;
	[tilespmem:$0x4080] =	vst v63  }
0x37: {  	_ = 	snop  }
0x38: {  	[tilespmem:s15], [sflag:$0x1] =	stream.indirect_vreg.gather [hbm4b:s3+s2], $0x80, v3, vm0, $0xb8;
	[tilespmem:$0x4080] =	vst v63  }
0x39: {  	_ =	swait.ge [sflag:s16], $0x4000  }
0x3a: {  	p0 =	sne.s32 s6, $0x1;
	[sflag:s16] =	ssyncset.done $0x0  }
.Ltmp0:
0x3b: {  	[sflag:s16] =	ssyncadd.s32 $0xFFFFC000;
	(pc) =	sbr.rel @p0 .LBB2_1-.Ltmp0, $4  }
0x3c: {  	[hbm4b:s5+s2] =	stream.linear.scatter [tilespmem:s8], [sflag:$0x2], $0x4000, $0x38;
	[tilespmem:$0x4080] =	vst v63  }
0x3d: {  	_ =	swait.ge [sflag:s7], $0x4000  }
0x3e: {  	[sflag:s7] =	ssyncset.done $0x0  }
0x3f: {  	s6 =	sadd.s32 $0xFFFFFFFF, s6;
	[sflag:s7] =	ssyncadd.s32 $0xFFFFC000  }
0x40: {  	_ =	sfence.sel $0x180000  }
0x41: {  	[bflag:$0x0] =	sbarrier.arrive $0xFFFF  }
0x42: {  	p0 =	sne.s32 s1, $0x0;
	_ =	strace $0x9000004D  }
0x43: {  	s0 =	sadd.s32 @!p0 $0x100000, s0;
	[bflag:$0x2] =	sbarrier.arrive $0xFFFF  }
0x44: {  	[sflag:s0] =	ssyncadd.tile.s32 @!p0 $0x1;
	_ =	shalt  }
.Lfunc_end2:
_tile_overlayer_lowered:
.L_overlay_start_2:
0x45: {  	(tag) =	ssettag $0x2  }
0x46: {  	s0 =	rddreg [dreg:$0x0];
	s2 =	stileid.u32  }
0x47: {  	s1 =	rddreg [dreg:$0x1];
	p0 =	sne.s32 s2, $0x0  }
0x48: {  	s3 =	rddreg [dreg:$0x2];
	[bflag:$0x3] =	sbarrier.arrive $0xFFFF;
	s2 =	simm.s32 @!p0 $0x1C02  }
0x49: {  	[timem:s3], [sflag:s2] =	dma.local @!p0 [hbm:s0], s1  }
0x4a: {  	s0 =	simm.s32 @!p0 $0x2  }
0x4b: {  	_ =	swait.ge @!p0 [sflag:s0], s1  }
0x4c: {  	s1 =	ssub.s32 @!p0 $0x0, s1;
	[sflag:s0] =	ssyncset.done @!p0 $0x0  }
0x4d: {  	[sflag:s0] =	ssyncadd.s32 @!p0 s1  }
0x4e: {  	[bflag:$0x3] =	sbarrier.arrive $0xFFFF  }
0x4f: {  	_ =	shalt  }

// kernel: kernel.8.cloned.1.call-start
scs
__scs_entry_jumppad:
0x0: {  	(pc) =	sbr.rel $0x88, $3  }
0x1: {  	(tag) =	ssettag $0x0;
	lr =	simm.s32 $0x1  }
0x2: {  	[smem:$0x3F85] =	sst lr;
	_ =	strace $0xD0000000  }
0x3: {  	_ = 	snop  }
0x4: {  	_ = 	snop  }
0x5: {  	_ = 	snop  }
0x6: {  	_ = 	snop  }
0x7: {  	_ = 	snop  }
__scs_overlays_trampoline_lowered:
0x8: {  	[smem:$0x3F94] =	sst s0  }
0x9: {  	[smem:$0x3F95] =	sst s1  }
0xa: {  	[smem:$0x3F96] =	sst s2  }
0xb: {  	[smem:$0x3F97] =	sst s3  }
0xc: {  	[smem:$0x3F98] =	sst s4  }
0xd: {  	[smem:$0x3F99] =	sst s5  }
0xe: {  	[smem:$0x3F9A] =	sst s6  }
0xf: {  	[smem:$0x3F9B] =	sst s7  }
0x10: {  	[smem:$0x3F9C] =	sst s8  }
0x11: {  	[smem:$0x3F9D] =	sst s9;
	s0 =	simm.s32 @!p0 $0x0  }
0x12: {  	s1 =	sld [smem:$0x3F83];
	s0 =	simm.s32 @p0 $0x1  }
0x13: {  	[smem:$0x3F9E] =	sst s0;
	s0 =	simm.s32 @!p1 $0x0  }
0x14: {  	s2 =	sld [smem:$0x3F82];
	s0 =	simm.s32 @p1 $0x1  }
0x15: {  	[smem:$0x3F9F] =	sst s0;
	s0 =	simm.s32 @!p2 $0x0  }
0x16: {  	s3 =	sld [smem:$0x3FDB];
	s0 =	simm.s32 @p2 $0x1  }
0x17: {  	s4 =	simm.s32 $0x1BF5;
	[smem:$0x3FA1] =	sst s0  }
0x18: {  	s0 =	sld [smem:$0x3F84];
	_ =	swait.ge [sflag:s4], $0x0  }
0x19: {  	s7 =	sld [smem:$0x3F85]  }
0x1a: {  	s8 =	sadd.s32 $0xFFFFE003, lr  }
0x1b: {  	s9 =	sadd.s32 $0xFFFFFEF7, lr;
	s5 =	simm.s32 $0xFFFFFFFF;
	p2 =	slt.u32 s8, $0xFFFFF086  }
0x1c: {  	p1 =	slt.u32 s9, $0xF7A;
	s5 =	simm.s32 @!p2 $0x0  }
0x1d: {  	s5 =	simm.s32 @p1 $0x1;
	p0 =	seq.s32 s7, s2  }
0x1e: {  	s7 =	smul.u32 @!p0 $0xF7A, s2;
	p2 =	seq.s32 @!p0 s5, $0x0  }
0x1f: {  	s9 =	smul.u32 $0xF7A, s1;
	s8 =	simm.s32 @!p0 $0x1BF5;
	p2 =	por !p2, p0  }
0x20: {  	[sflag:s8] =	ssyncset.s32 @!p0 $0xFFFFF086;
	s6 =	sadd.s32 @!p0 s3, s7;
	s7 =	simm.s32 @!p0 $0x108  }
0x21: {  	s3 =	sadd.s32 s3, s9;
	s6 =	sadd.s32 @!p0 $0x88, s6;
	s7 =	simm.s32 @p2 $0x1082  }
0x22: {  	[simem:s7], [sflag:s8] =	dma.local @!p0 [hbm:s6], $0xF7A  }
0x23: {  	s9 =	sor.u32 $0xD0000000, s2;
	s6 =	simm.s32 $0x108;
	_ =	swait.ge @!p0 [sflag:s8], $0x0  }
0x24: {  	s3 =	sadd.s32 $0x88, s3;
	s6 =	simm.s32 @!p1 $0x1082;
	[sflag:s4] =	ssyncset.s32 $0xFFFFF086  }
0x25: {  	[simem:s6], [sflag:s4] =	dma.local [hbm:s3], $0xF7A  }
0x26: {  	[smem:$0x3F85] =	sst s1;
	(tag) =	ssettag s2;
	_ =	strace s9  }
0x27: {  	s1 =	sld [smem:$0x3F95]  }
0x28: {  	s2 =	sld [smem:$0x3F96]  }
0x29: {  	s4 =	sld [smem:$0x3F98]  }
0x2a: {  	p0 =	seq.s32 s5, $0x0;
	s5 =	sld [smem:$0x3F99]  }
0x2b: {  	s6 =	sld [smem:$0x3F9A]  }
0x2c: {  	s7 =	sld [smem:$0x3F9B]  }
0x2d: {  	s3 =	simm.s32 $0x108;
	s8 =	sld [smem:$0x3F9C]  }
0x2e: {  	s3 =	simm.s32 @!p0 $0x1082;
	s9 =	sld [smem:$0x3F9D]  }
0x2f: {  	lr =	sadd.s32 s0, s3;
	s0 =	sld [smem:$0x3F94]  }
0x30: {  	s3 =	sld [smem:$0x3F97]  }
0x31: {  	[smem:$0x3FA0] =	sst s10  }
0x32: {  	s10 =	sld [smem:$0x3F9E];
	_ =	sdelay $0x3  }
0x33: {  	p0 =	seq.s32 s10, $0x1;
	s10 =	sld [smem:$0x3FA0];
	_ =	sdelay $0x3  }
0x34: {  	[smem:$0x3FA0] =	sst s10  }
0x35: {  	s10 =	sld [smem:$0x3F9F];
	_ =	sdelay $0x3  }
0x36: {  	p1 =	seq.s32 s10, $0x1;
	s10 =	sld [smem:$0x3FA0];
	_ =	sdelay $0x3  }
0x37: {  	[smem:$0x3FA0] =	sst s10  }
0x38: {  	s10 =	sld [smem:$0x3FA1]  }
0x39: {  	_ = 	snop;
	(pc) =	sbr.ind lr, $3  }
0x3a: {  	_ = 	snop  }
0x3b: {  	_ = 	snop  }
0x3c: {  	p2 =	seq.s32 s10, $0x1;
	s10 =	sld [smem:$0x3FA0]  }
0x3d: {  	_ =	shalt  }
0x3e: {  	_ =	shalt  }
0x3f: {  	_ =	shalt  }
0x40: {  	_ =	shalt  }
0x41: {  	_ =	shalt  }
0x42: {  	_ =	shalt  }
0x43: {  	_ =	shalt  }
0x44: {  	_ =	shalt  }
0x45: {  	_ =	shalt  }
0x46: {  	_ =	shalt  }
0x47: {  	_ =	shalt  }
0x48: {  	_ =	shalt  }
0x49: {  	_ =	shalt  }
0x4a: {  	_ =	shalt  }
0x4b: {  	_ =	shalt  }
0x4c: {  	_ =	shalt  }
0x4d: {  	_ =	shalt  }
0x4e: {  	_ =	shalt  }
0x4f: {  	_ =	shalt  }
0x50: {  	_ =	shalt  }
0x51: {  	_ =	shalt  }
0x52: {  	_ =	shalt  }
0x53: {  	_ =	shalt  }
0x54: {  	_ =	shalt  }
0x55: {  	_ =	shalt  }
0x56: {  	_ =	shalt  }
0x57: {  	_ =	shalt  }
0x58: {  	_ =	shalt  }
0x59: {  	_ =	shalt  }
0x5a: {  	_ =	shalt  }
0x5b: {  	_ =	shalt  }
0x5c: {  	_ =	shalt  }
0x5d: {  	_ =	shalt  }
0x5e: {  	_ =	shalt  }
0x5f: {  	_ =	shalt  }
0x60: {  	_ =	shalt  }
0x61: {  	_ =	shalt  }
0x62: {  	_ =	shalt  }
0x63: {  	_ =	shalt  }
0x64: {  	_ =	shalt  }
0x65: {  	_ =	shalt  }
0x66: {  	_ =	shalt  }
0x67: {  	_ =	shalt  }
0x68: {  	_ =	shalt  }
0x69: {  	_ =	shalt  }
0x6a: {  	_ =	shalt  }
0x6b: {  	_ =	shalt  }
0x6c: {  	_ =	shalt  }
0x6d: {  	_ =	shalt  }
0x6e: {  	_ =	shalt  }
0x6f: {  	_ =	shalt  }
0x70: {  	_ =	shalt  }
0x71: {  	_ =	shalt  }
0x72: {  	_ =	shalt  }
0x73: {  	_ =	shalt  }
0x74: {  	_ =	shalt  }
0x75: {  	_ =	shalt  }
0x76: {  	_ =	shalt  }
0x77: {  	_ =	shalt  }
0x78: {  	_ =	shalt  }
0x79: {  	_ =	shalt  }
0x7a: {  	_ =	shalt  }
0x7b: {  	_ =	shalt  }
0x7c: {  	_ =	shalt  }
0x7d: {  	_ =	shalt  }
0x7e: {  	_ =	shalt  }
0x7f: {  	_ =	shalt  }
0x80: {  	_ =	shalt  }
0x81: {  	_ =	shalt  }
0x82: {  	_ =	shalt  }
0x83: {  	_ =	shalt  }
0x84: {  	_ =	shalt  }
0x85: {  	_ =	shalt  }
0x86: {  	_ =	shalt  }
0x87: {  	_ =	shalt  }
.Lfunc_end0:
.L_simem_size_0:
called_computation_lowered:
.L_overlay_start_0:
0x88: {  	s2 =	sld [smem:$0x3FD9]  }
0x89: {  	s3 =	sld [smem:$0x3FFE];
	_ =	sdelay $0x1  }
0x8a: {  	s1 =	srdreg.scid  }
0x8b: {  	s0 =	sand.u32 $0x1, s1  }
0x8c: {  	s16 =	sshll.u32 s0, $0xA;
	s2 =	sadd.s32 s3, s2  }
0x8d: {  	s2 =	sadd.s32 s2, s16  }
0x8e: {  	[smem:$0x3FAC] =	sst s2  }
0x8f: {  	_ = 	snop  }
0x90: {  	(tm) =	ssettm $0x1  }
0x91: {  	s17 =	sld [smem:$0x3FFB];
	_ =	sdelay $0x3  }
0x92: {  	_ =	strace s17  }
0x93: {  	s2 =	sld [smem:$0x3FFC];
	_ =	sdelay $0x3  }
0x94: {  	_ =	strace s2  }
0x95: {  	s2 =	sld [smem:$0x3FFD];
	_ =	sdelay $0x3  }
0x96: {  	_ =	strace s2  }
0x97: {  	_ =	strace $0x8FFFFFFF  }
0x98: {  	s18 =	sld [smem:$0x3FDB];
	_ =	sdelay $0x1  }
0x99: {  	s19 =	simm.s32 $_scs_section_size  }
0x9a: {  	s4 =	simm.s32 $_size__tile_overlayer_lowered;
	s5 =	simm.s32 $_tile_overlayer_lowered  }
0x9b: {  	s22 =	simm.s32 $0x1BFF;
	s21 =	sshll.u32 s5, $0x1;
	s2 =	sadd.s32 s19, s18  }
0x9c: {  	s6 =	simm.s32 $0x0;
	s20 =	sshll.u32 s4, $0x1;
	s4 =	sadd.s32 s21, s2  }
0x9d: {  	[timem:s6], [sflag:s22] =	dma.local [hbm:s4], s20  }
0x9e: {  	_ =	swait.ge [sflag:s22], s20  }
0x9f: {  	s3 =	ssub.s32 $0x0, s20;
	[sflag:s22] =	ssyncset.done $0x0  }
0xa0: {  	[sflag:s22] =	ssyncadd.s32 s3;
	_ =	sdelay $0x1  }
0xa1: {  	s23 =	simm.s32 $0x1B8B  }
0xa2: {  	_ =	swait.ge [sflag:s23], $0x1  }
0xa3: {  	[sflag:s23] =	ssyncset.done $0x0  }
0xa4: {  	s25 =	simm.s32 $0x1B8E;
	s24 =	sld [smem:$0x3FFE];
	[sflag:s23] =	ssyncadd.s32 $0xFFFFFFFF  }
0xa5: {  	s26 =	simm.s32 $execute0_lowered;
	[smem:$0x3FD2] =	sst s25  }
0xa6: {  	s4 =	sshll.u32 s26, $0x1;
	_ =	strace $0x80000046;
	[dreg:$0x1] =	wrdreg $0xFFFFFFFF  }
0xa7: {  	s28 =	simm.s32 $_size_execute0_lowered;
	s2 =	sadd.s32 s2, s4;
	[dreg:$0x0] =	wrdreg $0x0  }
0xa8: {  	s4 =	sshll.u32 s28, $0x1;
	[dreg:$0x2] =	wrdreg s2  }
0xa9: {  	[dreg:$0x3] =	wrdreg s4  }
0xaa: {  	[dreg:$0x4] =	wrdreg $0xC0  }
0xab: {  	_ =	task [dreg:s6], $0x5FFFF  }
0xac: {  	[dreg:$0x1] =	wrdreg $0xFFFFFFFF  }
0xad: {  	[dreg:$0x0] =	wrdreg $0x60  }
0xae: {  	[dreg:$0x2] =	wrdreg s24  }
0xaf: {  	[dreg:$0x3] =	wrdreg $0x9  }
0xb0: {  	_ =	task.clear_ibuf [dreg:s6], $0x4FFFF;
	_ =	strace $0x90000046  }
0xb1: {  	s29 =	simm.s32 $0x9;
	_ =	strace $0x80000048  }
0xb2: {  	_ =	swait.ge [sflag:s29], $0x1  }
0xb3: {  	[sflag:s29] =	ssyncadd.s32 $0xFFFFFFFF  }
0xb4: {  	_ =	strace $0x90000048  }
0xb5: {  	_ =	sfence  }
0xb6: {  	s30 =	sld [smem:$0x0];
	_ =	sdelay $0x2  }
0xb7: {  	s31 =	sshll.u32 s1, $0xD;
	s1 =	sshrl.u32 s1, $0x2  }
0xb8: {  	s3 =	sand.u32 $0x4000, s31;
	s1 =	sadd.s32 s1, s30  }
0xb9: {  	s0 =	sor.u32 s3, s0;
	s1 =	sshll.u32 s1, $0x11  }
0xba: {  	s0 =	sor.u32 s1, s0  }
0xbb: {  	s0 =	sadd.s32 $0x8F2B, s0  }
0xbc: {  	[sflag:s0] =	ssyncadd.remote.s32 $0x1  }
0xbd: {  	_ =	sfence.sel $0xFFFF  }
0xbe: {  	[dreg:$0x0] =	wrdreg $0xFFFFFFFF;
	(pc) =	sbr.abs _section_cstart, $3  }
0xbf: {  	[dreg:$0x1] =	wrdreg $0xFFFFFFFF  }
0xc0: {  	_ =	task.clear_ibuf [dreg:s6], $0x2FFFF;
	_ =	strace $0x9FFFFFFF  }
0xc1: {  	(tm) =	ssettm $0x7FFFFFFF  }
tec
execute0_lowered:
.L_overlay_start_1:
0x0: {  	(tag) =	ssettag $0x1  }
0x1: {  	s1 =	srdreg.scid  }
0x2: {  	s0 =	stileid.u32;
	s9 =	rddreg [dreg:$0x0];
	s6 =	sand.u32 $0x1, s1  }
0x3: {  	s7 =	simm.s32 $0x80;
	s30 =	sshll.u32 s0, $0x7;
	s2 =	sshll.u32 s6, $0x6  }
0x4: {  	s8 =	simm.s32 $0x1;
	s1 =	rddreg [dreg:$0x1];
	s10 =	sor.u32 s2, s30  }
0x5: {  	s5 =	sadd.s32 $0x4200, s9;
	s2 =	simm.s32 $0x0;
	s3 =	sshrl.u32 s10, $0x3  }
0x6: {  	s11 =	ssub.s32 $0x2, s6;
	[smem:$0x7FF] =	sst s2;
	s3 =	sadd.s32 s3, s9  }
0x7: {  	_ =	strace $0x80000047;
	s4 =	sadd.s32 $0x4000, s3;
	s3 =	simm.s32 $0x2  }
0x8: {  	[tilespmem:s2], [sflag:$0x2] =	stream.linear.gather [hbm4b:s4+s2], $0x40, $0x38;
	[tilespmem:$0x2080] =	vst v63  }
0x9: {  	s6 =	simm.s32 $0x40;
	s12 =	sshrl.u32 s11, $0x1;
	_ =	swait.ge [sflag:s3], $0x40  }
0xa: {  	s10 =	sshll.u32 s10, $0x4;
	s31 =	ssub.s32 s11, s12;
	[sflag:s3] =	ssyncset.done $0x0  }
0xb: {  	s9 =	sadd.s32 s10, s9;
	s10 =	smax.u32 s31, $0x1;
	[sflag:s3] =	ssyncadd.s32 $0xFFFFFFC0  }
0xc: {  	[tilespmem:s7], [sflag:$0x1] =	stream.indirect.gather [hbm4b:s5+s6], $0x80, s2, s6, $0xb8;
	[tilespmem:$0x2080] =	vst v63  }
0xd: {  	p0 =	sne.s32 s10, $0x1;
	_ =	swait.ge [sflag:s8], $0x2000  }
.Ltmp0:
0xe: {  	[sflag:s8] =	ssyncset.done $0x0;
	(pc) =	sbr.rel @!p0 .LBB2_2-.Ltmp0, $4  }
0xf: {  	s9 =	sadd.s32 $0x8200, s9;
	[sflag:s8] =	ssyncadd.s32 $0xFFFFE000  }
0x10: {  	[hbm4b:s9+s2] =	stream.linear.scatter [tilespmem:s7], [sflag:$0x2], $0x2000, $0x38;
	[tilespmem:$0x2080] =	vst v63  }
0x11: {  	_ =	swait.ge [sflag:s3], $0x2000  }
0x12: {  	s10 =	sadd.s32 $0xFFFFFFFF, s10;
	[sflag:s3] =	ssyncset.done $0x0  }
.LBB2_1:
0x13: {  	p0 =	sne.s32 s10, $0x1;
	s10 =	sadd.s32 $0xFFFFFFFF, s10;
	[sflag:s3] =	ssyncadd.s32 $0xFFFFE000  }
0x14: {  	[tilespmem:s2], [sflag:$0x2] =	stream.linear.gather [hbm4b:s4+s2], $0x40, $0x38;
	[tilespmem:$0x2080] =	vst v63  }
0x15: {  	_ =	swait.ge [sflag:s3], $0x40  }
0x16: {  	[sflag:s3] =	ssyncset.done $0x0  }
0x17: {  	[sflag:s3] =	ssyncadd.s32 $0xFFFFFFC0  }
0x18: {  	[tilespmem:s7], [sflag:$0x1] =	stream.indirect.gather [hbm4b:s5+s6], $0x80, s2, s6, $0xb8;
	[tilespmem:$0x2080] =	vst v63  }
0x19: {  	_ =	swait.ge [sflag:s8], $0x2000  }
.Ltmp1:
0x1a: {  	[sflag:s8] =	ssyncset.done $0x0;
	(pc) =	sbr.rel @p0 .LBB2_1-.Ltmp1, $4  }
0x1b: {  	[sflag:s8] =	ssyncadd.s32 $0xFFFFE000  }
0x1c: {  	[hbm4b:s9+s2] =	stream.linear.scatter [tilespmem:s7], [sflag:$0x2], $0x2000, $0x38;
	[tilespmem:$0x2080] =	vst v63  }
0x1d: {  	_ =	swait.ge [sflag:s3], $0x2000  }
0x1e: {  	[sflag:s3] =	ssyncset.done $0x0  }
.LBB2_2:
0x1f: {  	[sflag:s3] =	ssyncadd.s32 $0xFFFFE000  }
0x20: {  	_ =	sfence.sel $0x180000  }
0x21: {  	[bflag:$0x0] =	sbarrier.arrive $0xFFFF  }
0x22: {  	p0 =	sne.s32 s0, $0x0;
	_ =	strace $0x90000047  }
0x23: {  	s0 =	sadd.s32 @!p0 $0x100000, s1;
	[bflag:$0x2] =	sbarrier.arrive $0xFFFF  }
0x24: {  	[sflag:s0] =	ssyncadd.tile.s32 @!p0 $0x1;
	_ =	shalt  }
.Lfunc_end2:
_tile_overlayer_lowered:
.L_overlay_start_2:
0x25: {  	(tag) =	ssettag $0x2  }
0x26: {  	s0 =	rddreg [dreg:$0x0];
	s2 =	stileid.u32  }
0x27: {  	s1 =	rddreg [dreg:$0x1];
	p0 =	sne.s32 s2, $0x0  }
0x28: {  	s3 =	rddreg [dreg:$0x2];
	[bflag:$0x3] =	sbarrier.arrive $0xFFFF;
	s2 =	simm.s32 @!p0 $0x1C02  }
0x29: {  	[timem:s3], [sflag:s2] =	dma.local @!p0 [hbm:s0], s1  }
0x2a: {  	s0 =	simm.s32 @!p0 $0x2  }
0x2b: {  	_ =	swait.ge @!p0 [sflag:s0], s1  }
0x2c: {  	s1 =	ssub.s32 @!p0 $0x0, s1;
	[sflag:s0] =	ssyncset.done @!p0 $0x0  }
0x2d: {  	[sflag:s0] =	ssyncadd.s32 @!p0 s1  }
0x2e: {  	[bflag:$0x3] =	sbarrier.arrive $0xFFFF  }
0x2f: {  	_ =	shalt  }

</sc_bundles>
